<compile_context>
chip_gen: v7x
topology: tpu7x:2x2x1
jax: 0.10.2.dev20260603
libtpu: 0.0.44.dev20260713+nightly
codegen_flags: <defaults>
</compile_context>

<pallas_src>
import functools

import jax
import jax.numpy as jnp
from jax import lax
from jax.experimental import pallas as pl
from jax.experimental.pallas import tpu as pltpu
from jax.experimental.pallas import tpu_sc as plsc

N_NODES = 10000
N_EDGES = 320000
D = 128
DE = 16

NC = 2
NS = 16
NW = NC * NS
E_PER_W = N_EDGES // NW
CHUNK = 80
N_PAIRS = E_PER_W // (2 * CHUNK)
RPT = 640
HALF = CHUNK // 2
N_PAD = N_NODES


_sc_mesh = plsc.VectorSubcoreMesh(core_axis_name="c", subcore_axis_name="s")


@functools.partial(
    pl.kernel,
    mesh=_sc_mesh,
    compiler_params=pltpu.CompilerParams(use_tc_tiling_on_sc=False),
    out_type=(
        jax.ShapeDtypeStruct((NC * N_PAD, D), jnp.float32),
        jax.ShapeDtypeStruct((NC * N_PAD, DE), jnp.float32),
        jax.ShapeDtypeStruct((NC * N_PAD, DE), jnp.float32),
    ),
    scratch_types=[
        pltpu.VMEM((CHUNK,), jnp.int32),
        pltpu.VMEM((CHUNK,), jnp.int32),
        pltpu.VMEM((CHUNK, D), jnp.float32),
        pltpu.VMEM((CHUNK, DE), jnp.float32),
        pltpu.VMEM((CHUNK,), jnp.int32),
        pltpu.VMEM((CHUNK,), jnp.int32),
        pltpu.VMEM((CHUNK, D), jnp.float32),
        pltpu.VMEM((CHUNK, DE), jnp.float32),
        pltpu.VMEM((CHUNK, DE), jnp.float32),
        pltpu.VMEM_SHARED((N_PAD, D), jnp.float32),
        pltpu.VMEM_SHARED((N_PAD, DE), jnp.float32),
        pltpu.VMEM_SHARED((N_PAD, DE), jnp.float32),
        pltpu.SemaphoreType.DMA,
        pltpu.SemaphoreType.DMA,
        pltpu.SemaphoreType.DMA,
        pltpu.SemaphoreType.DMA,
        pltpu.SemaphoreType.DMA,
    ],
)
def _sc_aggregate(x_hbm, src_hbm, dst_hbm, ea_hbm, onehot_hbm,
                  z_d_hbm, z_de_hbm,
                  out_s, out_e, out_d,
                  src_a, dst_a, rows_a, ea_a,
                  src_b, dst_b, rows_b, ea_b, ones_v,
                  acc_s, acc_e, acc_d,
                  sem_la, sem_lb, sem_g, sem_sa, sem_sb):
    c = lax.axis_index("c")
    s = lax.axis_index("s")
    wid = s * NC + c
    ebase = wid * E_PER_W

    pltpu.sync_copy(onehot_hbm, ones_v)
    pltpu.sync_copy(z_d_hbm, rows_b)
    pltpu.sync_copy(z_de_hbm, ea_b)

    r0 = jnp.minimum(s * RPT, N_PAD - RPT)

    @pl.loop(0, RPT // CHUNK)
    def zbody(j):
        pltpu.async_copy(rows_b, acc_s.at[pl.ds(r0 + j * CHUNK, CHUNK)],
                         sem_g).wait()
        pltpu.async_copy(ea_b, acc_e.at[pl.ds(r0 + j * CHUNK, CHUNK)],
                         sem_g).wait()
        pltpu.async_copy(ea_b, acc_d.at[pl.ds(r0 + j * CHUNK, CHUNK)],
                         sem_g).wait()

    pltpu.async_copy(src_hbm.at[pl.ds(ebase, CHUNK)], src_a, sem_la)
    pltpu.async_copy(dst_hbm.at[pl.ds(ebase, CHUNK)], dst_a, sem_la)
    pltpu.async_copy(ea_hbm.at[pl.ds(ebase, CHUNK)], ea_a, sem_la)

    plsc.subcore_barrier()

    pltpu.sync_copy(dst_hbm.at[pl.ds(ebase, CHUNK)], dst_b)
    pltpu.async_copy(rows_b, acc_s.at[dst_b], sem_sb, add=True)
    pltpu.async_copy(ea_b, acc_e.at[dst_b], sem_sb, add=True)
    pltpu.async_copy(ea_b, acc_d.at[dst_b], sem_sb, add=True)

    @pl.loop(0, N_PAIRS)
    def body(i):
        base_a = ebase + (2 * i) * CHUNK
        base_b = base_a + CHUNK
        base_n = jnp.minimum(base_a + 2 * CHUNK, N_EDGES - CHUNK)

        pltpu.make_async_copy(src_hbm.at[pl.ds(base_a, CHUNK)], src_a,
                              sem_la).wait()
        pltpu.make_async_copy(dst_hbm.at[pl.ds(base_a, CHUNK)], dst_a,
                              sem_la).wait()
        pltpu.make_async_copy(ea_hbm.at[pl.ds(base_a, CHUNK)], ea_a,
                              sem_la).wait()
        pltpu.make_async_copy(rows_b, acc_s.at[dst_b], sem_sb).wait()
        pltpu.make_async_copy(ea_b, acc_e.at[dst_b], sem_sb).wait()
        pltpu.make_async_copy(ea_b, acc_d.at[dst_b], sem_sb).wait()
        ga0 = pltpu.async_copy(x_hbm.at[src_a.at[pl.ds(0, HALF)]],
                               rows_a.at[pl.ds(0, HALF)], sem_g)
        ga1 = pltpu.async_copy(x_hbm.at[src_a.at[pl.ds(HALF, HALF)]],
                               rows_a.at[pl.ds(HALF, HALF)], sem_g)
        lb0 = pltpu.async_copy(src_hbm.at[pl.ds(base_b, CHUNK)], src_b,
                               sem_lb)
        lb1 = pltpu.async_copy(dst_hbm.at[pl.ds(base_b, CHUNK)], dst_b,
                               sem_lb)
        lb2 = pltpu.async_copy(ea_hbm.at[pl.ds(base_b, CHUNK)], ea_b,
                               sem_lb)
        ga0.wait()
        ga1.wait()
        sa0 = pltpu.async_copy(rows_a, acc_s.at[dst_a], sem_sa, add=True)
        sa1 = pltpu.async_copy(ea_a, acc_e.at[dst_a], sem_sa, add=True)
        sa2 = pltpu.async_copy(ones_v, acc_d.at[dst_a], sem_sa, add=True)
        lb0.wait()
        lb1.wait()
        lb2.wait()
        gb0 = pltpu.async_copy(x_hbm.at[src_b.at[pl.ds(0, HALF)]],
                               rows_b.at[pl.ds(0, HALF)], sem_g)
        gb1 = pltpu.async_copy(x_hbm.at[src_b.at[pl.ds(HALF, HALF)]],
                               rows_b.at[pl.ds(HALF, HALF)], sem_g)
        sa0.wait()
        sa1.wait()
        sa2.wait()
        pltpu.async_copy(src_hbm.at[pl.ds(base_n, CHUNK)], src_a, sem_la)
        pltpu.async_copy(dst_hbm.at[pl.ds(base_n, CHUNK)], dst_a, sem_la)
        pltpu.async_copy(ea_hbm.at[pl.ds(base_n, CHUNK)], ea_a, sem_la)
        gb0.wait()
        gb1.wait()
        pltpu.async_copy(rows_b, acc_s.at[dst_b], sem_sb, add=True)
        pltpu.async_copy(ea_b, acc_e.at[dst_b], sem_sb, add=True)
        pltpu.async_copy(ones_v, acc_d.at[dst_b], sem_sb, add=True)

    pltpu.make_async_copy(src_hbm.at[pl.ds(ebase, CHUNK)], src_a,
                          sem_la).wait()
    pltpu.make_async_copy(dst_hbm.at[pl.ds(ebase, CHUNK)], dst_a,
                          sem_la).wait()
    pltpu.make_async_copy(ea_hbm.at[pl.ds(ebase, CHUNK)], ea_a,
                          sem_la).wait()
    e0 = pltpu.async_copy(x_hbm.at[src_a.at[pl.ds(0, HALF)]],
                          rows_a.at[pl.ds(0, HALF)], sem_g)
    e1 = pltpu.async_copy(x_hbm.at[src_a.at[pl.ds(HALF, HALF)]],
                          rows_a.at[pl.ds(HALF, HALF)], sem_g)
    e0.wait()
    e1.wait()
    f0 = pltpu.async_copy(rows_a, acc_s.at[dst_a], sem_sa, add=True)
    f1 = pltpu.async_copy(ea_a, acc_e.at[dst_a], sem_sa, add=True)
    f2 = pltpu.async_copy(ones_v, acc_d.at[dst_a], sem_sa, add=True)
    f0.wait()
    f1.wait()
    f2.wait()
    pltpu.make_async_copy(rows_b, acc_s.at[dst_b], sem_sb).wait()
    pltpu.make_async_copy(ea_b, acc_e.at[dst_b], sem_sb).wait()
    pltpu.make_async_copy(ea_b, acc_d.at[dst_b], sem_sb).wait()

    plsc.subcore_barrier()

    obase = c * N_PAD + r0

    @pl.loop(0, RPT // CHUNK)
    def obody(j):
        pltpu.async_copy(acc_s.at[pl.ds(r0 + j * CHUNK, CHUNK)], rows_a,
                         sem_g).wait()
        pltpu.async_copy(rows_a, out_s.at[pl.ds(obase + j * CHUNK, CHUNK)],
                         sem_g).wait()
        pltpu.async_copy(acc_e.at[pl.ds(r0 + j * CHUNK, CHUNK)], ea_a,
                         sem_g).wait()
        pltpu.async_copy(ea_a, out_e.at[pl.ds(obase + j * CHUNK, CHUNK)],
                         sem_g).wait()
        pltpu.async_copy(acc_d.at[pl.ds(r0 + j * CHUNK, CHUNK)], ea_a,
                         sem_g).wait()
        pltpu.async_copy(ea_a, out_d.at[pl.ds(obase + j * CHUNK, CHUNK)],
                         sem_g).wait()


BLK = 1000


def _dense_body(x_ref, s_ref, e_ref, d_ref,
                w1a_ref, w1b_ref, w1c_ref, b1_ref,
                w2a_ref, w2b_ref, b2_ref, o_ref):
    x = x_ref[...]
    s = s_ref[0] + s_ref[1]
    e = e_ref[0] + e_ref[1]
    deg = d_ref[0, :, 0:1] + d_ref[1, :, 0:1]
    agg = jnp.dot(s, w1a_ref[...], preferred_element_type=jnp.float32)
    agg += deg * (jnp.dot(x, w1b_ref[...], preferred_element_type=jnp.float32)
                  + b1_ref[...])
    agg += jnp.dot(e, w1c_ref[...], preferred_element_type=jnp.float32)
    o = jnp.dot(agg, w2a_ref[...], preferred_element_type=jnp.float32)
    o += jnp.dot(x, w2b_ref[...], preferred_element_type=jnp.float32)
    o += b2_ref[...]
    o_ref[...] = o


def _dense(x, s_part, e_part, d_part, w1a, w1b, w1c, b1, w2a, w2b, b2):
    grid = (N_NODES // BLK,)

    def full(shape):
        return pl.BlockSpec(shape, lambda i: tuple(0 for _ in shape))

    return pl.pallas_call(
        _dense_body,
        grid=grid,
        in_specs=[
            pl.BlockSpec((BLK, D), lambda i: (i, 0)),
            pl.BlockSpec((NC, BLK, D), lambda i: (0, i, 0)),
            pl.BlockSpec((NC, BLK, DE), lambda i: (0, i, 0)),
            pl.BlockSpec((NC, BLK, DE), lambda i: (0, i, 0)),
            full((D, D)),
            full((D, D)),
            full((DE, D)),
            full((1, D)),
            full((D, D)),
            full((D, D)),
            full((1, D)),
        ],
        out_specs=pl.BlockSpec((BLK, D), lambda i: (i, 0)),
        out_shape=jax.ShapeDtypeStruct((N_NODES, D), jnp.float32),
    )(x, s_part, e_part, d_part, w1a, w1b, w1c, b1, w2a, w2b, b2)


def kernel(x, edge_index, edge_attr, W1, b1, W2, b2):
    src = edge_index[0]
    dst = edge_index[1]
    w1a, w1b, w1c = W1[:D], W1[D:2 * D], W1[2 * D:]
    w2a, w2b = W2[:D], W2[D:]
    onehot = jnp.zeros((CHUNK, DE), jnp.float32).at[:, 0].set(1.0)
    z_d = jnp.zeros((CHUNK, D), jnp.float32)
    z_de = jnp.zeros((CHUNK, DE), jnp.float32)
    s_part, e_part, d_part = _sc_aggregate(x, src, dst, edge_attr, onehot,
                                           z_d, z_de)
    s_part = s_part.reshape(NC, N_PAD, D)
    e_part = e_part.reshape(NC, N_PAD, DE)
    d_part = d_part.reshape(NC, N_PAD, DE)
    return _dense(x, s_part, e_part, d_part, w1a, w1b, w1c,
                  b1.reshape(1, D), w2a, w2b, b2.reshape(1, D))

# --- scband reference (transcript-rebuilt; emitter-appended) ---
"""Pipeline reference for scband-node2-edge2-node-block-5557687681588 (READ-ONLY COPY).

The authoritative reference and input builder live on the scoring server;
editing this copy changes nothing except your own understanding.
"""

import jax, jax.numpy as jnp
import numpy as np

NUM_NODES = 10000
NODE_DIM = 128
EDGE_DIM = 16
HIDDEN_DIM = 128
OUT_DIM = 128
NUM_EDGES = 320000


def setup_inputs(seed: int = 0) -> dict:
    key = jax.random.key(seed)
    k1, k2, k3, k4, k5, k6, k7 = jax.random.split(key, 7)
    x = jax.random.normal(k1, (NUM_NODES, NODE_DIM), dtype=jnp.float32)
    edge_index = jax.random.randint(k2, (2, NUM_EDGES), 0, NUM_NODES, dtype=jnp.int32)
    edge_attr = jax.random.normal(k3, (NUM_EDGES, EDGE_DIM), dtype=jnp.float32)
    # node2edge linear: in = 2*node_dim + edge_dim = 272, out = hidden_dim
    in1 = 2 * NODE_DIM + EDGE_DIM
    W1 = jax.random.normal(k4, (in1, HIDDEN_DIM), dtype=jnp.float32) * (1.0 / np.sqrt(in1))
    b1 = jax.random.normal(k5, (HIDDEN_DIM,), dtype=jnp.float32) * 0.01
    # edge2node linear: in = hidden_dim + node_dim = 256, out = out_dim
    in2 = HIDDEN_DIM + NODE_DIM
    W2 = jax.random.normal(k6, (in2, OUT_DIM), dtype=jnp.float32) * (1.0 / np.sqrt(in2))
    b2 = jax.random.normal(k7, (OUT_DIM,), dtype=jnp.float32) * 0.01
    return {"x": x, "edge_index": edge_index, "edge_attr": edge_attr,
            "W1": W1, "b1": b1, "W2": W2, "b2": b2}


def reference(x, edge_index, edge_attr, W1, b1, W2, b2):
    # --- Node2Edge ---
    h_i = jnp.take(x, edge_index[0], axis=0)
    h_j = jnp.take(x, edge_index[1], axis=0)
    inp_e = jnp.concatenate([h_i, h_j, edge_attr], axis=-1)
    h_edge = inp_e @ W1 + b1
    # --- Edge2Node (MessagePassing sum aggr over target index edge_index[1]) ---
    agg = jax.ops.segment_sum(h_edge, edge_index[1], num_segments=NUM_NODES)
    inp_n = jnp.concatenate([agg, x], axis=-1)
    h_node = inp_n @ W2 + b2
    return h_node

if __name__ == "__main__":
    import jax
    _d = setup_inputs()
    print(jax.jit(kernel)(*tuple(_d.values())))

</pallas_src>

<mosaic_0001>
#map = affine_map<(d0, d1) -> (0, 0)>
#map1 = affine_map<(d0, d1) -> (0)>
module attributes {stable_mosaic.version = 14 : i64} {
  func.func @_sc_aggregate(%arg0: i32, %arg1: i32, %arg2: memref<10000x128xf32, #tpu.memory_space<hbm>>, %arg3: memref<320000xi32, #tpu.memory_space<hbm>>, %arg4: memref<320000xi32, #tpu.memory_space<hbm>>, %arg5: memref<320000x16xf32, #tpu.memory_space<hbm>>, %arg6: memref<80x16xf32, #tpu.memory_space<hbm>>, %arg7: memref<80x128xf32, #tpu.memory_space<hbm>>, %arg8: memref<80x16xf32, #tpu.memory_space<hbm>>, %arg9: memref<20000x128xf32, #tpu.memory_space<hbm>>, %arg10: memref<20000x16xf32, #tpu.memory_space<hbm>>, %arg11: memref<20000x16xf32, #tpu.memory_space<hbm>>, %arg12: memref<80xi32, #tpu.memory_space<vmem>>, %arg13: memref<80xi32, #tpu.memory_space<vmem>>, %arg14: memref<80x128xf32, #tpu.memory_space<vmem>>, %arg15: memref<80x16xf32, #tpu.memory_space<vmem>>, %arg16: memref<80xi32, #tpu.memory_space<vmem>>, %arg17: memref<80xi32, #tpu.memory_space<vmem>>, %arg18: memref<80x128xf32, #tpu.memory_space<vmem>>, %arg19: memref<80x16xf32, #tpu.memory_space<vmem>>, %arg20: memref<80x16xf32, #tpu.memory_space<vmem>>, %arg21: memref<10000x128xf32, #tpu.memory_space<vmem_shared>>, %arg22: memref<10000x16xf32, #tpu.memory_space<vmem_shared>>, %arg23: memref<10000x16xf32, #tpu.memory_space<vmem_shared>>, %arg24: memref<!tpu.dma_semaphore, #tpu.memory_space<semaphore_mem>>, %arg25: memref<!tpu.dma_semaphore, #tpu.memory_space<semaphore_mem>>, %arg26: memref<!tpu.dma_semaphore, #tpu.memory_space<semaphore_mem>>, %arg27: memref<!tpu.dma_semaphore, #tpu.memory_space<semaphore_mem>>, %arg28: memref<!tpu.dma_semaphore, #tpu.memory_space<semaphore_mem>>) attributes {dimension_semantics = [#tpu.dimension_semantics<core_parallel>, #tpu.dimension_semantics<subcore_parallel>], iteration_bounds = array<i64: 2, 16>, scalar_prefetch = 0 : i64, scratch_operands = 17 : i64, tpu.core_type = #tpu.core_type<sc_vector_subcore>, window_params = [{transform_indices = #map}, {transform_indices = #map1}, {transform_indices = #map1}, {transform_indices = #map}, {transform_indices = #map}, {transform_indices = #map}, {transform_indices = #map}, {transform_indices = #map}, {transform_indices = #map}, {transform_indices = #map}]} {
    %mul3A = arith.constant 2 : i32
    %mul3A_0 = arith.muli %arg1, %mul3A : i32
    %add3A = arith.addi %mul3A_0, %arg0 : i32
    %mul3A_1 = arith.constant 10000 : i32
    %mul3A_2 = arith.muli %add3A, %mul3A_1 : i32
    "tpu.region"() ({
      %run_scoped3A = tpu.sem_alloc : memref<!tpu.dma_semaphore, #tpu.memory_space<semaphore_mem>>
      tpu.enqueue_dma source(%arg6 : memref<80x16xf32, #tpu.memory_space<hbm>>) target(%arg20 : memref<80x16xf32, #tpu.memory_space<vmem>>) target_semaphore(%run_scoped3A : memref<!tpu.dma_semaphore, #tpu.memory_space<semaphore_mem>>)
      tpu.wait_dma2 semaphore(%run_scoped3A : memref<!tpu.dma_semaphore, #tpu.memory_space<semaphore_mem>>) src(%arg6 : memref<80x16xf32, #tpu.memory_space<hbm>>) dst(%arg20 : memref<80x16xf32, #tpu.memory_space<vmem>>)
      tpu.yield
    }) : () -> ()
    "tpu.region"() ({
      %run_scoped3A = tpu.sem_alloc : memref<!tpu.dma_semaphore, #tpu.memory_space<semaphore_mem>>
      tpu.enqueue_dma source(%arg7 : memref<80x128xf32, #tpu.memory_space<hbm>>) target(%arg18 : memref<80x128xf32, #tpu.memory_space<vmem>>) target_semaphore(%run_scoped3A : memref<!tpu.dma_semaphore, #tpu.memory_space<semaphore_mem>>)
      tpu.wait_dma2 semaphore(%run_scoped3A : memref<!tpu.dma_semaphore, #tpu.memory_space<semaphore_mem>>) src(%arg7 : memref<80x128xf32, #tpu.memory_space<hbm>>) dst(%arg18 : memref<80x128xf32, #tpu.memory_space<vmem>>)
      tpu.yield
    }) : () -> ()
    "tpu.region"() ({
      %run_scoped3A = tpu.sem_alloc : memref<!tpu.dma_semaphore, #tpu.memory_space<semaphore_mem>>
      tpu.enqueue_dma source(%arg8 : memref<80x16xf32, #tpu.memory_space<hbm>>) target(%arg19 : memref<80x16xf32, #tpu.memory_space<vmem>>) target_semaphore(%run_scoped3A : memref<!tpu.dma_semaphore, #tpu.memory_space<semaphore_mem>>)
      tpu.wait_dma2 semaphore(%run_scoped3A : memref<!tpu.dma_semaphore, #tpu.memory_space<semaphore_mem>>) src(%arg8 : memref<80x16xf32, #tpu.memory_space<hbm>>) dst(%arg19 : memref<80x16xf32, #tpu.memory_space<vmem>>)
      tpu.yield
    }) : () -> ()
    %mul3A_3 = arith.constant 640 : i32
    %mul3A_4 = arith.muli %arg1, %mul3A_3 : i32
    %min3A = arith.constant 9360 : i32
    %min3A_5 = arith.minsi %mul3A_4, %min3A : i32
    %scan3A = arith.constant 0 : i32
    %scan3A_6 = arith.constant 8 : i32
    %scan3A_7 = arith.addi %scan3A, %scan3A_6 : i32
    %scan3A_8 = arith.constant 1 : i32
    scf.for %scan3A_106 = %scan3A to %scan3A_7 step %scan3A_8  : i32 {
      %mul3A_107 = arith.constant 1 : i32
      %mul3A_108 = arith.muli %scan3A_106, %mul3A_107 : i32
      %add3A_109 = arith.constant 0 : i32
      %add3A_110 = arith.addi %add3A_109, %mul3A_108 : i32
      %mul3A_111 = arith.constant 80 : i32
      %mul3A_112 = arith.muli %add3A_110, %mul3A_111 : i32
      %add3A_113 = arith.addi %min3A_5, %mul3A_112 : i32
      %dma_start3A_114 = arith.constant 0 : i32
      %dma_start3A_115 = tpu.memref_slice %arg21[%add3A_113, %dma_start3A_114] : memref<10000x128xf32, #tpu.memory_space<vmem_shared>> -> memref<80x128xf32, #tpu.memory_space<vmem_shared>>
      %dma_start3A_116 = arith.constant 0 : i32
      %dma_start3A_117 = tpu.memref_slice %arg21[%add3A_113, %dma_start3A_116] : memref<10000x128xf32, #tpu.memory_space<vmem_shared>> -> memref<80x128xf32, #tpu.memory_space<vmem_shared>>
      tpu.enqueue_dma source(%arg18 : memref<80x128xf32, #tpu.memory_space<vmem>>) target(%dma_start3A_117 : memref<80x128xf32, #tpu.memory_space<vmem_shared>>) target_semaphore(%arg26 : memref<!tpu.dma_semaphore, #tpu.memory_space<semaphore_mem>>)
      %dma_wait3A_118 = arith.constant 0 : i32
      %dma_wait3A_119 = tpu.memref_slice %arg21[%add3A_113, %dma_wait3A_118] : memref<10000x128xf32, #tpu.memory_space<vmem_shared>> -> memref<80x128xf32, #tpu.memory_space<vmem_shared>>
      %dma_wait3A_120 = arith.constant 0 : i32
      %dma_wait3A_121 = tpu.memref_slice %arg21[%add3A_113, %dma_wait3A_120] : memref<10000x128xf32, #tpu.memory_space<vmem_shared>> -> memref<80x128xf32, #tpu.memory_space<vmem_shared>>
      tpu.wait_dma2 semaphore(%arg26 : memref<!tpu.dma_semaphore, #tpu.memory_space<semaphore_mem>>) src(%arg18 : memref<80x128xf32, #tpu.memory_space<vmem>>) dst(%dma_wait3A_121 : memref<80x128xf32, #tpu.memory_space<vmem_shared>>)
      %mul3A_122 = arith.constant 80 : i32
      %mul3A_123 = arith.muli %add3A_110, %mul3A_122 : i32
      %add3A_124 = arith.addi %min3A_5, %mul3A_123 : i32
      %dma_start3A_125 = arith.constant 0 : i32
      %dma_start3A_126 = tpu.memref_slice %arg22[%add3A_124, %dma_start3A_125] : memref<10000x16xf32, #tpu.memory_space<vmem_shared>> -> memref<80x16xf32, #tpu.memory_space<vmem_shared>>
      %dma_start3A_127 = arith.constant 0 : i32
      %dma_start3A_128 = tpu.memref_slice %arg22[%add3A_124, %dma_start3A_127] : memref<10000x16xf32, #tpu.memory_space<vmem_shared>> -> memref<80x16xf32, #tpu.memory_space<vmem_shared>>
      tpu.enqueue_dma source(%arg19 : memref<80x16xf32, #tpu.memory_space<vmem>>) target(%dma_start3A_128 : memref<80x16xf32, #tpu.memory_space<vmem_shared>>) target_semaphore(%arg26 : memref<!tpu.dma_semaphore, #tpu.memory_space<semaphore_mem>>)
      %dma_wait3A_129 = arith.constant 0 : i32
      %dma_wait3A_130 = tpu.memref_slice %arg22[%add3A_124, %dma_wait3A_129] : memref<10000x16xf32, #tpu.memory_space<vmem_shared>> -> memref<80x16xf32, #tpu.memory_space<vmem_shared>>
      %dma_wait3A_131 = arith.constant 0 : i32
      %dma_wait3A_132 = tpu.memref_slice %arg22[%add3A_124, %dma_wait3A_131] : memref<10000x16xf32, #tpu.memory_space<vmem_shared>> -> memref<80x16xf32, #tpu.memory_space<vmem_shared>>
      tpu.wait_dma2 semaphore(%arg26 : memref<!tpu.dma_semaphore, #tpu.memory_space<semaphore_mem>>) src(%arg19 : memref<80x16xf32, #tpu.memory_space<vmem>>) dst(%dma_wait3A_132 : memref<80x16xf32, #tpu.memory_space<vmem_shared>>)
      %mul3A_133 = arith.constant 80 : i32
      %mul3A_134 = arith.muli %add3A_110, %mul3A_133 : i32
      %add3A_135 = arith.addi %min3A_5, %mul3A_134 : i32
      %dma_start3A_136 = arith.constant 0 : i32
      %dma_start3A_137 = tpu.memref_slice %arg23[%add3A_135, %dma_start3A_136] : memref<10000x16xf32, #tpu.memory_space<vmem_shared>> -> memref<80x16xf32, #tpu.memory_space<vmem_shared>>
      %dma_start3A_138 = arith.constant 0 : i32
      %dma_start3A_139 = tpu.memref_slice %arg23[%add3A_135, %dma_start3A_138] : memref<10000x16xf32, #tpu.memory_space<vmem_shared>> -> memref<80x16xf32, #tpu.memory_space<vmem_shared>>
      tpu.enqueue_dma source(%arg19 : memref<80x16xf32, #tpu.memory_space<vmem>>) target(%dma_start3A_139 : memref<80x16xf32, #tpu.memory_space<vmem_shared>>) target_semaphore(%arg26 : memref<!tpu.dma_semaphore, #tpu.memory_space<semaphore_mem>>)
      %dma_wait3A_140 = arith.constant 0 : i32
      %dma_wait3A_141 = tpu.memref_slice %arg23[%add3A_135, %dma_wait3A_140] : memref<10000x16xf32, #tpu.memory_space<vmem_shared>> -> memref<80x16xf32, #tpu.memory_space<vmem_shared>>
      %dma_wait3A_142 = arith.constant 0 : i32
      %dma_wait3A_143 = tpu.memref_slice %arg23[%add3A_135, %dma_wait3A_142] : memref<10000x16xf32, #tpu.memory_space<vmem_shared>> -> memref<80x16xf32, #tpu.memory_space<vmem_shared>>
      tpu.wait_dma2 semaphore(%arg26 : memref<!tpu.dma_semaphore, #tpu.memory_space<semaphore_mem>>) src(%arg19 : memref<80x16xf32, #tpu.memory_space<vmem>>) dst(%dma_wait3A_143 : memref<80x16xf32, #tpu.memory_space<vmem_shared>>)
    }
    %scan3A_9 = arith.constant 8 : i32
    %dma_start3A = tpu.memref_slice %arg3[%mul3A_2] : memref<320000xi32, #tpu.memory_space<hbm>> -> memref<80xi32, #tpu.memory_space<hbm>>
    %dma_start3A_10 = tpu.memref_slice %arg3[%mul3A_2] : memref<320000xi32, #tpu.memory_space<hbm>> -> memref<80xi32, #tpu.memory_space<hbm>>
    tpu.enqueue_dma source(%dma_start3A_10 : memref<80xi32, #tpu.memory_space<hbm>>) target(%arg12 : memref<80xi32, #tpu.memory_space<vmem>>) target_semaphore(%arg24 : memref<!tpu.dma_semaphore, #tpu.memory_space<semaphore_mem>>)
    %dma_start3A_11 = tpu.memref_slice %arg4[%mul3A_2] : memref<320000xi32, #tpu.memory_space<hbm>> -> memref<80xi32, #tpu.memory_space<hbm>>
    %dma_start3A_12 = tpu.memref_slice %arg4[%mul3A_2] : memref<320000xi32, #tpu.memory_space<hbm>> -> memref<80xi32, #tpu.memory_space<hbm>>
    tpu.enqueue_dma source(%dma_start3A_12 : memref<80xi32, #tpu.memory_space<hbm>>) target(%arg13 : memref<80xi32, #tpu.memory_space<vmem>>) target_semaphore(%arg24 : memref<!tpu.dma_semaphore, #tpu.memory_space<semaphore_mem>>)
    %dma_start3A_13 = arith.constant 0 : i32
    %dma_start3A_14 = tpu.memref_slice %arg5[%mul3A_2, %dma_start3A_13] : memref<320000x16xf32, #tpu.memory_space<hbm>> -> memref<80x16xf32, #tpu.memory_space<hbm>>
    %dma_start3A_15 = arith.constant 0 : i32
    %dma_start3A_16 = tpu.memref_slice %arg5[%mul3A_2, %dma_start3A_15] : memref<320000x16xf32, #tpu.memory_space<hbm>> -> memref<80x16xf32, #tpu.memory_space<hbm>>
    tpu.enqueue_dma source(%dma_start3A_16 : memref<80x16xf32, #tpu.memory_space<hbm>>) target(%arg15 : memref<80x16xf32, #tpu.memory_space<vmem>>) target_semaphore(%arg24 : memref<!tpu.dma_semaphore, #tpu.memory_space<semaphore_mem>>)
    %barrier3A = arith.constant 0 : index
    tpu.barrier barrier_id(%barrier3A)
    "tpu.region"() ({
      %run_scoped3A = tpu.sem_alloc : memref<!tpu.dma_semaphore, #tpu.memory_space<semaphore_mem>>
      %dma_start3A_106 = tpu.memref_slice %arg4[%mul3A_2] : memref<320000xi32, #tpu.memory_space<hbm>> -> memref<80xi32, #tpu.memory_space<hbm>>
      %dma_start3A_107 = tpu.memref_slice %arg4[%mul3A_2] : memref<320000xi32, #tpu.memory_space<hbm>> -> memref<80xi32, #tpu.memory_space<hbm>>
      tpu.enqueue_dma source(%dma_start3A_107 : memref<80xi32, #tpu.memory_space<hbm>>) target(%arg17 : memref<80xi32, #tpu.memory_space<vmem>>) target_semaphore(%run_scoped3A : memref<!tpu.dma_semaphore, #tpu.memory_space<semaphore_mem>>)
      %dma_wait3A_108 = tpu.memref_slice %arg4[%mul3A_2] : memref<320000xi32, #tpu.memory_space<hbm>> -> memref<80xi32, #tpu.memory_space<hbm>>
      %dma_wait3A_109 = tpu.memref_slice %arg4[%mul3A_2] : memref<320000xi32, #tpu.memory_space<hbm>> -> memref<80xi32, #tpu.memory_space<hbm>>
      tpu.wait_dma2 semaphore(%run_scoped3A : memref<!tpu.dma_semaphore, #tpu.memory_space<semaphore_mem>>) src(%dma_wait3A_109 : memref<80xi32, #tpu.memory_space<hbm>>) dst(%arg17 : memref<80xi32, #tpu.memory_space<vmem>>)
      tpu.yield
    }) : () -> ()
    %dma_start3A_17 = arith.constant 0 : i32
    %dma_start3A_18 = arith.constant 0 : i32
    %dma_start3A_19 = tpu.memref_slice %arg21[%dma_start3A_17, %dma_start3A_18] : memref<10000x128xf32, #tpu.memory_space<vmem_shared>> -> memref<10000x128xf32, #tpu.memory_space<vmem_shared>>
    tpu.enqueue_indirect_dma source(%arg18 : memref<80x128xf32, #tpu.memory_space<vmem>>) target(%dma_start3A_19 : memref<10000x128xf32, #tpu.memory_space<vmem_shared>>) offsets(%arg17 : memref<80xi32, #tpu.memory_space<vmem>>) semaphore(%arg28 : memref<!tpu.dma_semaphore, #tpu.memory_space<semaphore_mem>>) {add = true}
    %dma_start3A_20 = arith.constant 0 : i32
    %dma_start3A_21 = arith.constant 0 : i32
    %dma_start3A_22 = tpu.memref_slice %arg22[%dma_start3A_20, %dma_start3A_21] : memref<10000x16xf32, #tpu.memory_space<vmem_shared>> -> memref<10000x16xf32, #tpu.memory_space<vmem_shared>>
    tpu.enqueue_indirect_dma source(%arg19 : memref<80x16xf32, #tpu.memory_space<vmem>>) target(%dma_start3A_22 : memref<10000x16xf32, #tpu.memory_space<vmem_shared>>) offsets(%arg17 : memref<80xi32, #tpu.memory_space<vmem>>) semaphore(%arg28 : memref<!tpu.dma_semaphore, #tpu.memory_space<semaphore_mem>>) {add = true}
    %dma_start3A_23 = arith.constant 0 : i32
    %dma_start3A_24 = arith.constant 0 : i32
    %dma_start3A_25 = tpu.memref_slice %arg23[%dma_start3A_23, %dma_start3A_24] : memref<10000x16xf32, #tpu.memory_space<vmem_shared>> -> memref<10000x16xf32, #tpu.memory_space<vmem_shared>>
    tpu.enqueue_indirect_dma source(%arg19 : memref<80x16xf32, #tpu.memory_space<vmem>>) target(%dma_start3A_25 : memref<10000x16xf32, #tpu.memory_space<vmem_shared>>) offsets(%arg17 : memref<80xi32, #tpu.memory_space<vmem>>) semaphore(%arg28 : memref<!tpu.dma_semaphore, #tpu.memory_space<semaphore_mem>>) {add = true}
    %scan3A_26 = arith.constant 0 : i32
    %scan3A_27 = arith.constant 62 : i32
    %scan3A_28 = arith.addi %scan3A_26, %scan3A_27 : i32
    %scan3A_29 = arith.constant 1 : i32
    scf.for %scan3A_106 = %scan3A_26 to %scan3A_28 step %scan3A_29  : i32 {
      %mul3A_107 = arith.constant 1 : i32
      %mul3A_108 = arith.muli %scan3A_106, %mul3A_107 : i32
      %add3A_109 = arith.constant 0 : i32
      %add3A_110 = arith.addi %add3A_109, %mul3A_108 : i32
      %mul3A_111 = arith.constant 2 : i32
      %mul3A_112 = arith.muli %mul3A_111, %add3A_110 : i32
      %mul3A_113 = arith.constant 80 : i32
      %mul3A_114 = arith.muli %mul3A_112, %mul3A_113 : i32
      %add3A_115 = arith.addi %mul3A_2, %mul3A_114 : i32
      %add3A_116 = arith.constant 80 : i32
      %add3A_117 = arith.addi %add3A_115, %add3A_116 : i32
      %add3A_118 = arith.constant 160 : i32
      %add3A_119 = arith.addi %add3A_115, %add3A_118 : i32
      %min3A_120 = arith.constant 319920 : i32
      %min3A_121 = arith.minsi %add3A_119, %min3A_120 : i32
      %dma_wait3A_122 = tpu.memref_slice %arg3[%add3A_115] : memref<320000xi32, #tpu.memory_space<hbm>> -> memref<80xi32, #tpu.memory_space<hbm>>
      %dma_wait3A_123 = tpu.memref_slice %arg3[%add3A_115] : memref<320000xi32, #tpu.memory_space<hbm>> -> memref<80xi32, #tpu.memory_space<hbm>>
      tpu.wait_dma2 semaphore(%arg24 : memref<!tpu.dma_semaphore, #tpu.memory_space<semaphore_mem>>) src(%dma_wait3A_123 : memref<80xi32, #tpu.memory_space<hbm>>) dst(%arg12 : memref<80xi32, #tpu.memory_space<vmem>>)
      %dma_wait3A_124 = tpu.memref_slice %arg4[%add3A_115] : memref<320000xi32, #tpu.memory_space<hbm>> -> memref<80xi32, #tpu.memory_space<hbm>>
      %dma_wait3A_125 = tpu.memref_slice %arg4[%add3A_115] : memref<320000xi32, #tpu.memory_space<hbm>> -> memref<80xi32, #tpu.memory_space<hbm>>
      tpu.wait_dma2 semaphore(%arg24 : memref<!tpu.dma_semaphore, #tpu.memory_space<semaphore_mem>>) src(%dma_wait3A_125 : memref<80xi32, #tpu.memory_space<hbm>>) dst(%arg13 : memref<80xi32, #tpu.memory_space<vmem>>)
      %dma_wait3A_126 = arith.constant 0 : i32
      %dma_wait3A_127 = tpu.memref_slice %arg5[%add3A_115, %dma_wait3A_126] : memref<320000x16xf32, #tpu.memory_space<hbm>> -> memref<80x16xf32, #tpu.memory_space<hbm>>
      %dma_wait3A_128 = arith.constant 0 : i32
      %dma_wait3A_129 = tpu.memref_slice %arg5[%add3A_115, %dma_wait3A_128] : memref<320000x16xf32, #tpu.memory_space<hbm>> -> memref<80x16xf32, #tpu.memory_space<hbm>>
      tpu.wait_dma2 semaphore(%arg24 : memref<!tpu.dma_semaphore, #tpu.memory_space<semaphore_mem>>) src(%dma_wait3A_129 : memref<80x16xf32, #tpu.memory_space<hbm>>) dst(%arg15 : memref<80x16xf32, #tpu.memory_space<vmem>>)
      %dma_wait3A_130 = arith.constant 0 : i32
      %dma_wait3A_131 = arith.constant 0 : i32
      %dma_wait3A_132 = tpu.memref_slice %arg21[%dma_wait3A_130, %dma_wait3A_131] : memref<10000x128xf32, #tpu.memory_space<vmem_shared>> -> memref<10000x128xf32, #tpu.memory_space<vmem_shared>>
      tpu.wait_indirect_dma semaphore(%arg28 : memref<!tpu.dma_semaphore, #tpu.memory_space<semaphore_mem>>) src(%arg18 : memref<80x128xf32, #tpu.memory_space<vmem>>) dst(%dma_wait3A_132 : memref<10000x128xf32, #tpu.memory_space<vmem_shared>>)
      %dma_wait3A_133 = arith.constant 0 : i32
      %dma_wait3A_134 = arith.constant 0 : i32
      %dma_wait3A_135 = tpu.memref_slice %arg22[%dma_wait3A_133, %dma_wait3A_134] : memref<10000x16xf32, #tpu.memory_space<vmem_shared>> -> memref<10000x16xf32, #tpu.memory_space<vmem_shared>>
      tpu.wait_indirect_dma semaphore(%arg28 : memref<!tpu.dma_semaphore, #tpu.memory_space<semaphore_mem>>) src(%arg19 : memref<80x16xf32, #tpu.memory_space<vmem>>) dst(%dma_wait3A_135 : memref<10000x16xf32, #tpu.memory_space<vmem_shared>>)
      %dma_wait3A_136 = arith.constant 0 : i32
      %dma_wait3A_137 = arith.constant 0 : i32
      %dma_wait3A_138 = tpu.memref_slice %arg23[%dma_wait3A_136, %dma_wait3A_137] : memref<10000x16xf32, #tpu.memory_space<vmem_shared>> -> memref<10000x16xf32, #tpu.memory_space<vmem_shared>>
      tpu.wait_indirect_dma semaphore(%arg28 : memref<!tpu.dma_semaphore, #tpu.memory_space<semaphore_mem>>) src(%arg19 : memref<80x16xf32, #tpu.memory_space<vmem>>) dst(%dma_wait3A_138 : memref<10000x16xf32, #tpu.memory_space<vmem_shared>>)
      %dma_start3A_139 = arith.constant 0 : i32
      %dma_start3A_140 = arith.constant 0 : i32
      %dma_start3A_141 = tpu.memref_slice %arg14[%dma_start3A_139, %dma_start3A_140] : memref<80x128xf32, #tpu.memory_space<vmem>> -> memref<40x128xf32, #tpu.memory_space<vmem>>
      %dma_start3A_142 = arith.constant 0 : i32
      %dma_start3A_143 = tpu.memref_slice %arg12[%dma_start3A_142] : memref<80xi32, #tpu.memory_space<vmem>> -> memref<40xi32, #tpu.memory_space<vmem>>
      %dma_start3A_144 = arith.constant 0 : i32
      %dma_start3A_145 = arith.constant 0 : i32
      %dma_start3A_146 = tpu.memref_slice %arg2[%dma_start3A_144, %dma_start3A_145] : memref<10000x128xf32, #tpu.memory_space<hbm>> -> memref<10000x128xf32, #tpu.memory_space<hbm>>
      tpu.enqueue_indirect_dma source(%dma_start3A_146 : memref<10000x128xf32, #tpu.memory_space<hbm>>) target(%dma_start3A_141 : memref<40x128xf32, #tpu.memory_space<vmem>>) offsets(%dma_start3A_143 : memref<40xi32, #tpu.memory_space<vmem>>) semaphore(%arg26 : memref<!tpu.dma_semaphore, #tpu.memory_space<semaphore_mem>>)
      %dma_start3A_147 = arith.constant 40 : i32
      %dma_start3A_148 = arith.constant 0 : i32
      %dma_start3A_149 = tpu.memref_slice %arg14[%dma_start3A_147, %dma_start3A_148] : memref<80x128xf32, #tpu.memory_space<vmem>> -> memref<40x128xf32, #tpu.memory_space<vmem>>
      %dma_start3A_150 = arith.constant 40 : i32
      %dma_start3A_151 = tpu.memref_slice %arg12[%dma_start3A_150] : memref<80xi32, #tpu.memory_space<vmem>> -> memref<40xi32, #tpu.memory_space<vmem>>
      %dma_start3A_152 = arith.constant 0 : i32
      %dma_start3A_153 = arith.constant 0 : i32
      %dma_start3A_154 = tpu.memref_slice %arg2[%dma_start3A_152, %dma_start3A_153] : memref<10000x128xf32, #tpu.memory_space<hbm>> -> memref<10000x128xf32, #tpu.memory_space<hbm>>
      tpu.enqueue_indirect_dma source(%dma_start3A_154 : memref<10000x128xf32, #tpu.memory_space<hbm>>) target(%dma_start3A_149 : memref<40x128xf32, #tpu.memory_space<vmem>>) offsets(%dma_start3A_151 : memref<40xi32, #tpu.memory_space<vmem>>) semaphore(%arg26 : memref<!tpu.dma_semaphore, #tpu.memory_space<semaphore_mem>>)
      %dma_start3A_155 = tpu.memref_slice %arg3[%add3A_117] : memref<320000xi32, #tpu.memory_space<hbm>> -> memref<80xi32, #tpu.memory_space<hbm>>
      %dma_start3A_156 = tpu.memref_slice %arg3[%add3A_117] : memref<320000xi32, #tpu.memory_space<hbm>> -> memref<80xi32, #tpu.memory_space<hbm>>
      tpu.enqueue_dma source(%dma_start3A_156 : memref<80xi32, #tpu.memory_space<hbm>>) target(%arg16 : memref<80xi32, #tpu.memory_space<vmem>>) target_semaphore(%arg25 : memref<!tpu.dma_semaphore, #tpu.memory_space<semaphore_mem>>)
      %dma_start3A_157 = tpu.memref_slice %arg4[%add3A_117] : memref<320000xi32, #tpu.memory_space<hbm>> -> memref<80xi32, #tpu.memory_space<hbm>>
      %dma_start3A_158 = tpu.memref_slice %arg4[%add3A_117] : memref<320000xi32, #tpu.memory_space<hbm>> -> memref<80xi32, #tpu.memory_space<hbm>>
      tpu.enqueue_dma source(%dma_start3A_158 : memref<80xi32, #tpu.memory_space<hbm>>) target(%arg17 : memref<80xi32, #tpu.memory_space<vmem>>) target_semaphore(%arg25 : memref<!tpu.dma_semaphore, #tpu.memory_space<semaphore_mem>>)
      %dma_start3A_159 = arith.constant 0 : i32
      %dma_start3A_160 = tpu.memref_slice %arg5[%add3A_117, %dma_start3A_159] : memref<320000x16xf32, #tpu.memory_space<hbm>> -> memref<80x16xf32, #tpu.memory_space<hbm>>
      %dma_start3A_161 = arith.constant 0 : i32
      %dma_start3A_162 = tpu.memref_slice %arg5[%add3A_117, %dma_start3A_161] : memref<320000x16xf32, #tpu.memory_space<hbm>> -> memref<80x16xf32, #tpu.memory_space<hbm>>
      tpu.enqueue_dma source(%dma_start3A_162 : memref<80x16xf32, #tpu.memory_space<hbm>>) target(%arg19 : memref<80x16xf32, #tpu.memory_space<vmem>>) target_semaphore(%arg25 : memref<!tpu.dma_semaphore, #tpu.memory_space<semaphore_mem>>)
      %dma_wait3A_163 = arith.constant 0 : i32
      %dma_wait3A_164 = arith.constant 0 : i32
      %dma_wait3A_165 = tpu.memref_slice %arg14[%dma_wait3A_163, %dma_wait3A_164] : memref<80x128xf32, #tpu.memory_space<vmem>> -> memref<40x128xf32, #tpu.memory_space<vmem>>
      %dma_wait3A_166 = arith.constant 0 : i32
      %dma_wait3A_167 = tpu.memref_slice %arg12[%dma_wait3A_166] : memref<80xi32, #tpu.memory_space<vmem>> -> memref<40xi32, #tpu.memory_space<vmem>>
      %dma_wait3A_168 = arith.constant 0 : i32
      %dma_wait3A_169 = arith.constant 0 : i32
      %dma_wait3A_170 = tpu.memref_slice %arg2[%dma_wait3A_168, %dma_wait3A_169] : memref<10000x128xf32, #tpu.memory_space<hbm>> -> memref<10000x128xf32, #tpu.memory_space<hbm>>
      tpu.wait_indirect_dma semaphore(%arg26 : memref<!tpu.dma_semaphore, #tpu.memory_space<semaphore_mem>>) src(%dma_wait3A_170 : memref<10000x128xf32, #tpu.memory_space<hbm>>) dst(%dma_wait3A_165 : memref<40x128xf32, #tpu.memory_space<vmem>>)
      %dma_wait3A_171 = arith.constant 40 : i32
      %dma_wait3A_172 = arith.constant 0 : i32
      %dma_wait3A_173 = tpu.memref_slice %arg14[%dma_wait3A_171, %dma_wait3A_172] : memref<80x128xf32, #tpu.memory_space<vmem>> -> memref<40x128xf32, #tpu.memory_space<vmem>>
      %dma_wait3A_174 = arith.constant 40 : i32
      %dma_wait3A_175 = tpu.memref_slice %arg12[%dma_wait3A_174] : memref<80xi32, #tpu.memory_space<vmem>> -> memref<40xi32, #tpu.memory_space<vmem>>
      %dma_wait3A_176 = arith.constant 0 : i32
      %dma_wait3A_177 = arith.constant 0 : i32
      %dma_wait3A_178 = tpu.memref_slice %arg2[%dma_wait3A_176, %dma_wait3A_177] : memref<10000x128xf32, #tpu.memory_space<hbm>> -> memref<10000x128xf32, #tpu.memory_space<hbm>>
      tpu.wait_indirect_dma semaphore(%arg26 : memref<!tpu.dma_semaphore, #tpu.memory_space<semaphore_mem>>) src(%dma_wait3A_178 : memref<10000x128xf32, #tpu.memory_space<hbm>>) dst(%dma_wait3A_173 : memref<40x128xf32, #tpu.memory_space<vmem>>)
      %dma_start3A_179 = arith.constant 0 : i32
      %dma_start3A_180 = arith.constant 0 : i32
      %dma_start3A_181 = tpu.memref_slice %arg21[%dma_start3A_179, %dma_start3A_180] : memref<10000x128xf32, #tpu.memory_space<vmem_shared>> -> memref<10000x128xf32, #tpu.memory_space<vmem_shared>>
      tpu.enqueue_indirect_dma source(%arg14 : memref<80x128xf32, #tpu.memory_space<vmem>>) target(%dma_start3A_181 : memref<10000x128xf32, #tpu.memory_space<vmem_shared>>) offsets(%arg13 : memref<80xi32, #tpu.memory_space<vmem>>) semaphore(%arg27 : memref<!tpu.dma_semaphore, #tpu.memory_space<semaphore_mem>>) {add = true}
      %dma_start3A_182 = arith.constant 0 : i32
      %dma_start3A_183 = arith.constant 0 : i32
      %dma_start3A_184 = tpu.memref_slice %arg22[%dma_start3A_182, %dma_start3A_183] : memref<10000x16xf32, #tpu.memory_space<vmem_shared>> -> memref<10000x16xf32, #tpu.memory_space<vmem_shared>>
      tpu.enqueue_indirect_dma source(%arg15 : memref<80x16xf32, #tpu.memory_space<vmem>>) target(%dma_start3A_184 : memref<10000x16xf32, #tpu.memory_space<vmem_shared>>) offsets(%arg13 : memref<80xi32, #tpu.memory_space<vmem>>) semaphore(%arg27 : memref<!tpu.dma_semaphore, #tpu.memory_space<semaphore_mem>>) {add = true}
      %dma_start3A_185 = arith.constant 0 : i32
      %dma_start3A_186 = arith.constant 0 : i32
      %dma_start3A_187 = tpu.memref_slice %arg23[%dma_start3A_185, %dma_start3A_186] : memref<10000x16xf32, #tpu.memory_space<vmem_shared>> -> memref<10000x16xf32, #tpu.memory_space<vmem_shared>>
      tpu.enqueue_indirect_dma source(%arg20 : memref<80x16xf32, #tpu.memory_space<vmem>>) target(%dma_start3A_187 : memref<10000x16xf32, #tpu.memory_space<vmem_shared>>) offsets(%arg13 : memref<80xi32, #tpu.memory_space<vmem>>) semaphore(%arg27 : memref<!tpu.dma_semaphore, #tpu.memory_space<semaphore_mem>>) {add = true}
      %dma_wait3A_188 = tpu.memref_slice %arg3[%add3A_117] : memref<320000xi32, #tpu.memory_space<hbm>> -> memref<80xi32, #tpu.memory_space<hbm>>
      %dma_wait3A_189 = tpu.memref_slice %arg3[%add3A_117] : memref<320000xi32, #tpu.memory_space<hbm>> -> memref<80xi32, #tpu.memory_space<hbm>>
      tpu.wait_dma2 semaphore(%arg25 : memref<!tpu.dma_semaphore, #tpu.memory_space<semaphore_mem>>) src(%dma_wait3A_189 : memref<80xi32, #tpu.memory_space<hbm>>) dst(%arg16 : memref<80xi32, #tpu.memory_space<vmem>>)
      %dma_wait3A_190 = tpu.memref_slice %arg4[%add3A_117] : memref<320000xi32, #tpu.memory_space<hbm>> -> memref<80xi32, #tpu.memory_space<hbm>>
      %dma_wait3A_191 = tpu.memref_slice %arg4[%add3A_117] : memref<320000xi32, #tpu.memory_space<hbm>> -> memref<80xi32, #tpu.memory_space<hbm>>
      tpu.wait_dma2 semaphore(%arg25 : memref<!tpu.dma_semaphore, #tpu.memory_space<semaphore_mem>>) src(%dma_wait3A_191 : memref<80xi32, #tpu.memory_space<hbm>>) dst(%arg17 : memref<80xi32, #tpu.memory_space<vmem>>)
      %dma_wait3A_192 = arith.constant 0 : i32
      %dma_wait3A_193 = tpu.memref_slice %arg5[%add3A_117, %dma_wait3A_192] : memref<320000x16xf32, #tpu.memory_space<hbm>> -> memref<80x16xf32, #tpu.memory_space<hbm>>
      %dma_wait3A_194 = arith.constant 0 : i32
      %dma_wait3A_195 = tpu.memref_slice %arg5[%add3A_117, %dma_wait3A_194] : memref<320000x16xf32, #tpu.memory_space<hbm>> -> memref<80x16xf32, #tpu.memory_space<hbm>>
      tpu.wait_dma2 semaphore(%arg25 : memref<!tpu.dma_semaphore, #tpu.memory_space<semaphore_mem>>) src(%dma_wait3A_195 : memref<80x16xf32, #tpu.memory_space<hbm>>) dst(%arg19 : memref<80x16xf32, #tpu.memory_space<vmem>>)
      %dma_start3A_196 = arith.constant 0 : i32
      %dma_start3A_197 = arith.constant 0 : i32
      %dma_start3A_198 = tpu.memref_slice %arg18[%dma_start3A_196, %dma_start3A_197] : memref<80x128xf32, #tpu.memory_space<vmem>> -> memref<40x128xf32, #tpu.memory_space<vmem>>
      %dma_start3A_199 = arith.constant 0 : i32
      %dma_start3A_200 = tpu.memref_slice %arg16[%dma_start3A_199] : memref<80xi32, #tpu.memory_space<vmem>> -> memref<40xi32, #tpu.memory_space<vmem>>
      %dma_start3A_201 = arith.constant 0 : i32
      %dma_start3A_202 = arith.constant 0 : i32
      %dma_start3A_203 = tpu.memref_slice %arg2[%dma_start3A_201, %dma_start3A_202] : memref<10000x128xf32, #tpu.memory_space<hbm>> -> memref<10000x128xf32, #tpu.memory_space<hbm>>
      tpu.enqueue_indirect_dma source(%dma_start3A_203 : memref<10000x128xf32, #tpu.memory_space<hbm>>) target(%dma_start3A_198 : memref<40x128xf32, #tpu.memory_space<vmem>>) offsets(%dma_start3A_200 : memref<40xi32, #tpu.memory_space<vmem>>) semaphore(%arg26 : memref<!tpu.dma_semaphore, #tpu.memory_space<semaphore_mem>>)
      %dma_start3A_204 = arith.constant 40 : i32
      %dma_start3A_205 = arith.constant 0 : i32
      %dma_start3A_206 = tpu.memref_slice %arg18[%dma_start3A_204, %dma_start3A_205] : memref<80x128xf32, #tpu.memory_space<vmem>> -> memref<40x128xf32, #tpu.memory_space<vmem>>
      %dma_start3A_207 = arith.constant 40 : i32
      %dma_start3A_208 = tpu.memref_slice %arg16[%dma_start3A_207] : memref<80xi32, #tpu.memory_space<vmem>> -> memref<40xi32, #tpu.memory_space<vmem>>
      %dma_start3A_209 = arith.constant 0 : i32
      %dma_start3A_210 = arith.constant 0 : i32
      %dma_start3A_211 = tpu.memref_slice %arg2[%dma_start3A_209, %dma_start3A_210] : memref<10000x128xf32, #tpu.memory_space<hbm>> -> memref<10000x128xf32, #tpu.memory_space<hbm>>
      tpu.enqueue_indirect_dma source(%dma_start3A_211 : memref<10000x128xf32, #tpu.memory_space<hbm>>) target(%dma_start3A_206 : memref<40x128xf32, #tpu.memory_space<vmem>>) offsets(%dma_start3A_208 : memref<40xi32, #tpu.memory_space<vmem>>) semaphore(%arg26 : memref<!tpu.dma_semaphore, #tpu.memory_space<semaphore_mem>>)
      %dma_wait3A_212 = arith.constant 0 : i32
      %dma_wait3A_213 = arith.constant 0 : i32
      %dma_wait3A_214 = tpu.memref_slice %arg21[%dma_wait3A_212, %dma_wait3A_213] : memref<10000x128xf32, #tpu.memory_space<vmem_shared>> -> memref<10000x128xf32, #tpu.memory_space<vmem_shared>>
      tpu.wait_indirect_dma semaphore(%arg27 : memref<!tpu.dma_semaphore, #tpu.memory_space<semaphore_mem>>) src(%arg14 : memref<80x128xf32, #tpu.memory_space<vmem>>) dst(%dma_wait3A_214 : memref<10000x128xf32, #tpu.memory_space<vmem_shared>>)
      %dma_wait3A_215 = arith.constant 0 : i32
      %dma_wait3A_216 = arith.constant 0 : i32
      %dma_wait3A_217 = tpu.memref_slice %arg22[%dma_wait3A_215, %dma_wait3A_216] : memref<10000x16xf32, #tpu.memory_space<vmem_shared>> -> memref<10000x16xf32, #tpu.memory_space<vmem_shared>>
      tpu.wait_indirect_dma semaphore(%arg27 : memref<!tpu.dma_semaphore, #tpu.memory_space<semaphore_mem>>) src(%arg15 : memref<80x16xf32, #tpu.memory_space<vmem>>) dst(%dma_wait3A_217 : memref<10000x16xf32, #tpu.memory_space<vmem_shared>>)
      %dma_wait3A_218 = arith.constant 0 : i32
      %dma_wait3A_219 = arith.constant 0 : i32
      %dma_wait3A_220 = tpu.memref_slice %arg23[%dma_wait3A_218, %dma_wait3A_219] : memref<10000x16xf32, #tpu.memory_space<vmem_shared>> -> memref<10000x16xf32, #tpu.memory_space<vmem_shared>>
      tpu.wait_indirect_dma semaphore(%arg27 : memref<!tpu.dma_semaphore, #tpu.memory_space<semaphore_mem>>) src(%arg20 : memref<80x16xf32, #tpu.memory_space<vmem>>) dst(%dma_wait3A_220 : memref<10000x16xf32, #tpu.memory_space<vmem_shared>>)
      %dma_start3A_221 = tpu.memref_slice %arg3[%min3A_121] : memref<320000xi32, #tpu.memory_space<hbm>> -> memref<80xi32, #tpu.memory_space<hbm>>
      %dma_start3A_222 = tpu.memref_slice %arg3[%min3A_121] : memref<320000xi32, #tpu.memory_space<hbm>> -> memref<80xi32, #tpu.memory_space<hbm>>
      tpu.enqueue_dma source(%dma_start3A_222 : memref<80xi32, #tpu.memory_space<hbm>>) target(%arg12 : memref<80xi32, #tpu.memory_space<vmem>>) target_semaphore(%arg24 : memref<!tpu.dma_semaphore, #tpu.memory_space<semaphore_mem>>)
      %dma_start3A_223 = tpu.memref_slice %arg4[%min3A_121] : memref<320000xi32, #tpu.memory_space<hbm>> -> memref<80xi32, #tpu.memory_space<hbm>>
      %dma_start3A_224 = tpu.memref_slice %arg4[%min3A_121] : memref<320000xi32, #tpu.memory_space<hbm>> -> memref<80xi32, #tpu.memory_space<hbm>>
      tpu.enqueue_dma source(%dma_start3A_224 : memref<80xi32, #tpu.memory_space<hbm>>) target(%arg13 : memref<80xi32, #tpu.memory_space<vmem>>) target_semaphore(%arg24 : memref<!tpu.dma_semaphore, #tpu.memory_space<semaphore_mem>>)
      %dma_start3A_225 = arith.constant 0 : i32
      %dma_start3A_226 = tpu.memref_slice %arg5[%min3A_121, %dma_start3A_225] : memref<320000x16xf32, #tpu.memory_space<hbm>> -> memref<80x16xf32, #tpu.memory_space<hbm>>
      %dma_start3A_227 = arith.constant 0 : i32
      %dma_start3A_228 = tpu.memref_slice %arg5[%min3A_121, %dma_start3A_227] : memref<320000x16xf32, #tpu.memory_space<hbm>> -> memref<80x16xf32, #tpu.memory_space<hbm>>
      tpu.enqueue_dma source(%dma_start3A_228 : memref<80x16xf32, #tpu.memory_space<hbm>>) target(%arg15 : memref<80x16xf32, #tpu.memory_space<vmem>>) target_semaphore(%arg24 : memref<!tpu.dma_semaphore, #tpu.memory_space<semaphore_mem>>)
      %dma_wait3A_229 = arith.constant 0 : i32
      %dma_wait3A_230 = arith.constant 0 : i32
      %dma_wait3A_231 = tpu.memref_slice %arg18[%dma_wait3A_229, %dma_wait3A_230] : memref<80x128xf32, #tpu.memory_space<vmem>> -> memref<40x128xf32, #tpu.memory_space<vmem>>
      %dma_wait3A_232 = arith.constant 0 : i32
      %dma_wait3A_233 = tpu.memref_slice %arg16[%dma_wait3A_232] : memref<80xi32, #tpu.memory_space<vmem>> -> memref<40xi32, #tpu.memory_space<vmem>>
      %dma_wait3A_234 = arith.constant 0 : i32
      %dma_wait3A_235 = arith.constant 0 : i32
      %dma_wait3A_236 = tpu.memref_slice %arg2[%dma_wait3A_234, %dma_wait3A_235] : memref<10000x128xf32, #tpu.memory_space<hbm>> -> memref<10000x128xf32, #tpu.memory_space<hbm>>
      tpu.wait_indirect_dma semaphore(%arg26 : memref<!tpu.dma_semaphore, #tpu.memory_space<semaphore_mem>>) src(%dma_wait3A_236 : memref<10000x128xf32, #tpu.memory_space<hbm>>) dst(%dma_wait3A_231 : memref<40x128xf32, #tpu.memory_space<vmem>>)
      %dma_wait3A_237 = arith.constant 40 : i32
      %dma_wait3A_238 = arith.constant 0 : i32
      %dma_wait3A_239 = tpu.memref_slice %arg18[%dma_wait3A_237, %dma_wait3A_238] : memref<80x128xf32, #tpu.memory_space<vmem>> -> memref<40x128xf32, #tpu.memory_space<vmem>>
      %dma_wait3A_240 = arith.constant 40 : i32
      %dma_wait3A_241 = tpu.memref_slice %arg16[%dma_wait3A_240] : memref<80xi32, #tpu.memory_space<vmem>> -> memref<40xi32, #tpu.memory_space<vmem>>
      %dma_wait3A_242 = arith.constant 0 : i32
      %dma_wait3A_243 = arith.constant 0 : i32
      %dma_wait3A_244 = tpu.memref_slice %arg2[%dma_wait3A_242, %dma_wait3A_243] : memref<10000x128xf32, #tpu.memory_space<hbm>> -> memref<10000x128xf32, #tpu.memory_space<hbm>>
      tpu.wait_indirect_dma semaphore(%arg26 : memref<!tpu.dma_semaphore, #tpu.memory_space<semaphore_mem>>) src(%dma_wait3A_244 : memref<10000x128xf32, #tpu.memory_space<hbm>>) dst(%dma_wait3A_239 : memref<40x128xf32, #tpu.memory_space<vmem>>)
      %dma_start3A_245 = arith.constant 0 : i32
      %dma_start3A_246 = arith.constant 0 : i32
      %dma_start3A_247 = tpu.memref_slice %arg21[%dma_start3A_245, %dma_start3A_246] : memref<10000x128xf32, #tpu.memory_space<vmem_shared>> -> memref<10000x128xf32, #tpu.memory_space<vmem_shared>>
      tpu.enqueue_indirect_dma source(%arg18 : memref<80x128xf32, #tpu.memory_space<vmem>>) target(%dma_start3A_247 : memref<10000x128xf32, #tpu.memory_space<vmem_shared>>) offsets(%arg17 : memref<80xi32, #tpu.memory_space<vmem>>) semaphore(%arg28 : memref<!tpu.dma_semaphore, #tpu.memory_space<semaphore_mem>>) {add = true}
      %dma_start3A_248 = arith.constant 0 : i32
      %dma_start3A_249 = arith.constant 0 : i32
      %dma_start3A_250 = tpu.memref_slice %arg22[%dma_start3A_248, %dma_start3A_249] : memref<10000x16xf32, #tpu.memory_space<vmem_shared>> -> memref<10000x16xf32, #tpu.memory_space<vmem_shared>>
      tpu.enqueue_indirect_dma source(%arg19 : memref<80x16xf32, #tpu.memory_space<vmem>>) target(%dma_start3A_250 : memref<10000x16xf32, #tpu.memory_space<vmem_shared>>) offsets(%arg17 : memref<80xi32, #tpu.memory_space<vmem>>) semaphore(%arg28 : memref<!tpu.dma_semaphore, #tpu.memory_space<semaphore_mem>>) {add = true}
      %dma_start3A_251 = arith.constant 0 : i32
      %dma_start3A_252 = arith.constant 0 : i32
      %dma_start3A_253 = tpu.memref_slice %arg23[%dma_start3A_251, %dma_start3A_252] : memref<10000x16xf32, #tpu.memory_space<vmem_shared>> -> memref<10000x16xf32, #tpu.memory_space<vmem_shared>>
      tpu.enqueue_indirect_dma source(%arg20 : memref<80x16xf32, #tpu.memory_space<vmem>>) target(%dma_start3A_253 : memref<10000x16xf32, #tpu.memory_space<vmem_shared>>) offsets(%arg17 : memref<80xi32, #tpu.memory_space<vmem>>) semaphore(%arg28 : memref<!tpu.dma_semaphore, #tpu.memory_space<semaphore_mem>>) {add = true}
    }
    %scan3A_30 = arith.constant 62 : i32
    %dma_wait3A = tpu.memref_slice %arg3[%mul3A_2] : memref<320000xi32, #tpu.memory_space<hbm>> -> memref<80xi32, #tpu.memory_space<hbm>>
    %dma_wait3A_31 = tpu.memref_slice %arg3[%mul3A_2] : memref<320000xi32, #tpu.memory_space<hbm>> -> memref<80xi32, #tpu.memory_space<hbm>>
    tpu.wait_dma2 semaphore(%arg24 : memref<!tpu.dma_semaphore, #tpu.memory_space<semaphore_mem>>) src(%dma_wait3A_31 : memref<80xi32, #tpu.memory_space<hbm>>) dst(%arg12 : memref<80xi32, #tpu.memory_space<vmem>>)
    %dma_wait3A_32 = tpu.memref_slice %arg4[%mul3A_2] : memref<320000xi32, #tpu.memory_space<hbm>> -> memref<80xi32, #tpu.memory_space<hbm>>
    %dma_wait3A_33 = tpu.memref_slice %arg4[%mul3A_2] : memref<320000xi32, #tpu.memory_space<hbm>> -> memref<80xi32, #tpu.memory_space<hbm>>
    tpu.wait_dma2 semaphore(%arg24 : memref<!tpu.dma_semaphore, #tpu.memory_space<semaphore_mem>>) src(%dma_wait3A_33 : memref<80xi32, #tpu.memory_space<hbm>>) dst(%arg13 : memref<80xi32, #tpu.memory_space<vmem>>)
    %dma_wait3A_34 = arith.constant 0 : i32
    %dma_wait3A_35 = tpu.memref_slice %arg5[%mul3A_2, %dma_wait3A_34] : memref<320000x16xf32, #tpu.memory_space<hbm>> -> memref<80x16xf32, #tpu.memory_space<hbm>>
    %dma_wait3A_36 = arith.constant 0 : i32
    %dma_wait3A_37 = tpu.memref_slice %arg5[%mul3A_2, %dma_wait3A_36] : memref<320000x16xf32, #tpu.memory_space<hbm>> -> memref<80x16xf32, #tpu.memory_space<hbm>>
    tpu.wait_dma2 semaphore(%arg24 : memref<!tpu.dma_semaphore, #tpu.memory_space<semaphore_mem>>) src(%dma_wait3A_37 : memref<80x16xf32, #tpu.memory_space<hbm>>) dst(%arg15 : memref<80x16xf32, #tpu.memory_space<vmem>>)
    %dma_start3A_38 = arith.constant 0 : i32
    %dma_start3A_39 = arith.constant 0 : i32
    %dma_start3A_40 = tpu.memref_slice %arg14[%dma_start3A_38, %dma_start3A_39] : memref<80x128xf32, #tpu.memory_space<vmem>> -> memref<40x128xf32, #tpu.memory_space<vmem>>
    %dma_start3A_41 = arith.constant 0 : i32
    %dma_start3A_42 = tpu.memref_slice %arg12[%dma_start3A_41] : memref<80xi32, #tpu.memory_space<vmem>> -> memref<40xi32, #tpu.memory_space<vmem>>
    %dma_start3A_43 = arith.constant 0 : i32
    %dma_start3A_44 = arith.constant 0 : i32
    %dma_start3A_45 = tpu.memref_slice %arg2[%dma_start3A_43, %dma_start3A_44] : memref<10000x128xf32, #tpu.memory_space<hbm>> -> memref<10000x128xf32, #tpu.memory_space<hbm>>
    tpu.enqueue_indirect_dma source(%dma_start3A_45 : memref<10000x128xf32, #tpu.memory_space<hbm>>) target(%dma_start3A_40 : memref<40x128xf32, #tpu.memory_space<vmem>>) offsets(%dma_start3A_42 : memref<40xi32, #tpu.memory_space<vmem>>) semaphore(%arg26 : memref<!tpu.dma_semaphore, #tpu.memory_space<semaphore_mem>>)
    %dma_start3A_46 = arith.constant 40 : i32
    %dma_start3A_47 = arith.constant 0 : i32
    %dma_start3A_48 = tpu.memref_slice %arg14[%dma_start3A_46, %dma_start3A_47] : memref<80x128xf32, #tpu.memory_space<vmem>> -> memref<40x128xf32, #tpu.memory_space<vmem>>
    %dma_start3A_49 = arith.constant 40 : i32
    %dma_start3A_50 = tpu.memref_slice %arg12[%dma_start3A_49] : memref<80xi32, #tpu.memory_space<vmem>> -> memref<40xi32, #tpu.memory_space<vmem>>
    %dma_start3A_51 = arith.constant 0 : i32
    %dma_start3A_52 = arith.constant 0 : i32
    %dma_start3A_53 = tpu.memref_slice %arg2[%dma_start3A_51, %dma_start3A_52] : memref<10000x128xf32, #tpu.memory_space<hbm>> -> memref<10000x128xf32, #tpu.memory_space<hbm>>
    tpu.enqueue_indirect_dma source(%dma_start3A_53 : memref<10000x128xf32, #tpu.memory_space<hbm>>) target(%dma_start3A_48 : memref<40x128xf32, #tpu.memory_space<vmem>>) offsets(%dma_start3A_50 : memref<40xi32, #tpu.memory_space<vmem>>) semaphore(%arg26 : memref<!tpu.dma_semaphore, #tpu.memory_space<semaphore_mem>>)
    %dma_wait3A_54 = arith.constant 0 : i32
    %dma_wait3A_55 = arith.constant 0 : i32
    %dma_wait3A_56 = tpu.memref_slice %arg14[%dma_wait3A_54, %dma_wait3A_55] : memref<80x128xf32, #tpu.memory_space<vmem>> -> memref<40x128xf32, #tpu.memory_space<vmem>>
    %dma_wait3A_57 = arith.constant 0 : i32
    %dma_wait3A_58 = tpu.memref_slice %arg12[%dma_wait3A_57] : memref<80xi32, #tpu.memory_space<vmem>> -> memref<40xi32, #tpu.memory_space<vmem>>
    %dma_wait3A_59 = arith.constant 0 : i32
    %dma_wait3A_60 = arith.constant 0 : i32
    %dma_wait3A_61 = tpu.memref_slice %arg2[%dma_wait3A_59, %dma_wait3A_60] : memref<10000x128xf32, #tpu.memory_space<hbm>> -> memref<10000x128xf32, #tpu.memory_space<hbm>>
    tpu.wait_indirect_dma semaphore(%arg26 : memref<!tpu.dma_semaphore, #tpu.memory_space<semaphore_mem>>) src(%dma_wait3A_61 : memref<10000x128xf32, #tpu.memory_space<hbm>>) dst(%dma_wait3A_56 : memref<40x128xf32, #tpu.memory_space<vmem>>)
    %dma_wait3A_62 = arith.constant 40 : i32
    %dma_wait3A_63 = arith.constant 0 : i32
    %dma_wait3A_64 = tpu.memref_slice %arg14[%dma_wait3A_62, %dma_wait3A_63] : memref<80x128xf32, #tpu.memory_space<vmem>> -> memref<40x128xf32, #tpu.memory_space<vmem>>
    %dma_wait3A_65 = arith.constant 40 : i32
    %dma_wait3A_66 = tpu.memref_slice %arg12[%dma_wait3A_65] : memref<80xi32, #tpu.memory_space<vmem>> -> memref<40xi32, #tpu.memory_space<vmem>>
    %dma_wait3A_67 = arith.constant 0 : i32
    %dma_wait3A_68 = arith.constant 0 : i32
    %dma_wait3A_69 = tpu.memref_slice %arg2[%dma_wait3A_67, %dma_wait3A_68] : memref<10000x128xf32, #tpu.memory_space<hbm>> -> memref<10000x128xf32, #tpu.memory_space<hbm>>
    tpu.wait_indirect_dma semaphore(%arg26 : memref<!tpu.dma_semaphore, #tpu.memory_space<semaphore_mem>>) src(%dma_wait3A_69 : memref<10000x128xf32, #tpu.memory_space<hbm>>) dst(%dma_wait3A_64 : memref<40x128xf32, #tpu.memory_space<vmem>>)
    %dma_start3A_70 = arith.constant 0 : i32
    %dma_start3A_71 = arith.constant 0 : i32
    %dma_start3A_72 = tpu.memref_slice %arg21[%dma_start3A_70, %dma_start3A_71] : memref<10000x128xf32, #tpu.memory_space<vmem_shared>> -> memref<10000x128xf32, #tpu.memory_space<vmem_shared>>
    tpu.enqueue_indirect_dma source(%arg14 : memref<80x128xf32, #tpu.memory_space<vmem>>) target(%dma_start3A_72 : memref<10000x128xf32, #tpu.memory_space<vmem_shared>>) offsets(%arg13 : memref<80xi32, #tpu.memory_space<vmem>>) semaphore(%arg27 : memref<!tpu.dma_semaphore, #tpu.memory_space<semaphore_mem>>) {add = true}
    %dma_start3A_73 = arith.constant 0 : i32
    %dma_start3A_74 = arith.constant 0 : i32
    %dma_start3A_75 = tpu.memref_slice %arg22[%dma_start3A_73, %dma_start3A_74] : memref<10000x16xf32, #tpu.memory_space<vmem_shared>> -> memref<10000x16xf32, #tpu.memory_space<vmem_shared>>
    tpu.enqueue_indirect_dma source(%arg15 : memref<80x16xf32, #tpu.memory_space<vmem>>) target(%dma_start3A_75 : memref<10000x16xf32, #tpu.memory_space<vmem_shared>>) offsets(%arg13 : memref<80xi32, #tpu.memory_space<vmem>>) semaphore(%arg27 : memref<!tpu.dma_semaphore, #tpu.memory_space<semaphore_mem>>) {add = true}
    %dma_start3A_76 = arith.constant 0 : i32
    %dma_start3A_77 = arith.constant 0 : i32
    %dma_start3A_78 = tpu.memref_slice %arg23[%dma_start3A_76, %dma_start3A_77] : memref<10000x16xf32, #tpu.memory_space<vmem_shared>> -> memref<10000x16xf32, #tpu.memory_space<vmem_shared>>
    tpu.enqueue_indirect_dma source(%arg20 : memref<80x16xf32, #tpu.memory_space<vmem>>) target(%dma_start3A_78 : memref<10000x16xf32, #tpu.memory_space<vmem_shared>>) offsets(%arg13 : memref<80xi32, #tpu.memory_space<vmem>>) semaphore(%arg27 : memref<!tpu.dma_semaphore, #tpu.memory_space<semaphore_mem>>) {add = true}
    %dma_wait3A_79 = arith.constant 0 : i32
    %dma_wait3A_80 = arith.constant 0 : i32
    %dma_wait3A_81 = tpu.memref_slice %arg21[%dma_wait3A_79, %dma_wait3A_80] : memref<10000x128xf32, #tpu.memory_space<vmem_shared>> -> memref<10000x128xf32, #tpu.memory_space<vmem_shared>>
    tpu.wait_indirect_dma semaphore(%arg27 : memref<!tpu.dma_semaphore, #tpu.memory_space<semaphore_mem>>) src(%arg14 : memref<80x128xf32, #tpu.memory_space<vmem>>) dst(%dma_wait3A_81 : memref<10000x128xf32, #tpu.memory_space<vmem_shared>>)
    %dma_wait3A_82 = arith.constant 0 : i32
    %dma_wait3A_83 = arith.constant 0 : i32
    %dma_wait3A_84 = tpu.memref_slice %arg22[%dma_wait3A_82, %dma_wait3A_83] : memref<10000x16xf32, #tpu.memory_space<vmem_shared>> -> memref<10000x16xf32, #tpu.memory_space<vmem_shared>>
    tpu.wait_indirect_dma semaphore(%arg27 : memref<!tpu.dma_semaphore, #tpu.memory_space<semaphore_mem>>) src(%arg15 : memref<80x16xf32, #tpu.memory_space<vmem>>) dst(%dma_wait3A_84 : memref<10000x16xf32, #tpu.memory_space<vmem_shared>>)
    %dma_wait3A_85 = arith.constant 0 : i32
    %dma_wait3A_86 = arith.constant 0 : i32
    %dma_wait3A_87 = tpu.memref_slice %arg23[%dma_wait3A_85, %dma_wait3A_86] : memref<10000x16xf32, #tpu.memory_space<vmem_shared>> -> memref<10000x16xf32, #tpu.memory_space<vmem_shared>>
    tpu.wait_indirect_dma semaphore(%arg27 : memref<!tpu.dma_semaphore, #tpu.memory_space<semaphore_mem>>) src(%arg20 : memref<80x16xf32, #tpu.memory_space<vmem>>) dst(%dma_wait3A_87 : memref<10000x16xf32, #tpu.memory_space<vmem_shared>>)
    %dma_wait3A_88 = arith.constant 0 : i32
    %dma_wait3A_89 = arith.constant 0 : i32
    %dma_wait3A_90 = tpu.memref_slice %arg21[%dma_wait3A_88, %dma_wait3A_89] : memref<10000x128xf32, #tpu.memory_space<vmem_shared>> -> memref<10000x128xf32, #tpu.memory_space<vmem_shared>>
    tpu.wait_indirect_dma semaphore(%arg28 : memref<!tpu.dma_semaphore, #tpu.memory_space<semaphore_mem>>) src(%arg18 : memref<80x128xf32, #tpu.memory_space<vmem>>) dst(%dma_wait3A_90 : memref<10000x128xf32, #tpu.memory_space<vmem_shared>>)
    %dma_wait3A_91 = arith.constant 0 : i32
    %dma_wait3A_92 = arith.constant 0 : i32
    %dma_wait3A_93 = tpu.memref_slice %arg22[%dma_wait3A_91, %dma_wait3A_92] : memref<10000x16xf32, #tpu.memory_space<vmem_shared>> -> memref<10000x16xf32, #tpu.memory_space<vmem_shared>>
    tpu.wait_indirect_dma semaphore(%arg28 : memref<!tpu.dma_semaphore, #tpu.memory_space<semaphore_mem>>) src(%arg19 : memref<80x16xf32, #tpu.memory_space<vmem>>) dst(%dma_wait3A_93 : memref<10000x16xf32, #tpu.memory_space<vmem_shared>>)
    %dma_wait3A_94 = arith.constant 0 : i32
    %dma_wait3A_95 = arith.constant 0 : i32
    %dma_wait3A_96 = tpu.memref_slice %arg23[%dma_wait3A_94, %dma_wait3A_95] : memref<10000x16xf32, #tpu.memory_space<vmem_shared>> -> memref<10000x16xf32, #tpu.memory_space<vmem_shared>>
    tpu.wait_indirect_dma semaphore(%arg28 : memref<!tpu.dma_semaphore, #tpu.memory_space<semaphore_mem>>) src(%arg19 : memref<80x16xf32, #tpu.memory_space<vmem>>) dst(%dma_wait3A_96 : memref<10000x16xf32, #tpu.memory_space<vmem_shared>>)
    %barrier3A_97 = arith.constant 0 : index
    tpu.barrier barrier_id(%barrier3A_97)
    %mul3A_98 = arith.constant 10000 : i32
    %mul3A_99 = arith.muli %arg0, %mul3A_98 : i32
    %add3A_100 = arith.addi %mul3A_99, %min3A_5 : i32
    %scan3A_101 = arith.constant 0 : i32
    %scan3A_102 = arith.constant 8 : i32
    %scan3A_103 = arith.addi %scan3A_101, %scan3A_102 : i32
    %scan3A_104 = arith.constant 1 : i32
    scf.for %scan3A_106 = %scan3A_101 to %scan3A_103 step %scan3A_104  : i32 {
      %mul3A_107 = arith.constant 1 : i32
      %mul3A_108 = arith.muli %scan3A_106, %mul3A_107 : i32
      %add3A_109 = arith.constant 0 : i32
      %add3A_110 = arith.addi %add3A_109, %mul3A_108 : i32
      %mul3A_111 = arith.constant 80 : i32
      %mul3A_112 = arith.muli %add3A_110, %mul3A_111 : i32
      %add3A_113 = arith.addi %min3A_5, %mul3A_112 : i32
      %dma_start3A_114 = arith.constant 0 : i32
      %dma_start3A_115 = tpu.memref_slice %arg21[%add3A_113, %dma_start3A_114] : memref<10000x128xf32, #tpu.memory_space<vmem_shared>> -> memref<80x128xf32, #tpu.memory_space<vmem_shared>>
      %dma_start3A_116 = arith.constant 0 : i32
      %dma_start3A_117 = tpu.memref_slice %arg21[%add3A_113, %dma_start3A_116] : memref<10000x128xf32, #tpu.memory_space<vmem_shared>> -> memref<80x128xf32, #tpu.memory_space<vmem_shared>>
      tpu.enqueue_dma source(%dma_start3A_117 : memref<80x128xf32, #tpu.memory_space<vmem_shared>>) target(%arg14 : memref<80x128xf32, #tpu.memory_space<vmem>>) target_semaphore(%arg26 : memref<!tpu.dma_semaphore, #tpu.memory_space<semaphore_mem>>)
      %dma_wait3A_118 = arith.constant 0 : i32
      %dma_wait3A_119 = tpu.memref_slice %arg21[%add3A_113, %dma_wait3A_118] : memref<10000x128xf32, #tpu.memory_space<vmem_shared>> -> memref<80x128xf32, #tpu.memory_space<vmem_shared>>
      %dma_wait3A_120 = arith.constant 0 : i32
      %dma_wait3A_121 = tpu.memref_slice %arg21[%add3A_113, %dma_wait3A_120] : memref<10000x128xf32, #tpu.memory_space<vmem_shared>> -> memref<80x128xf32, #tpu.memory_space<vmem_shared>>
      tpu.wait_dma2 semaphore(%arg26 : memref<!tpu.dma_semaphore, #tpu.memory_space<semaphore_mem>>) src(%dma_wait3A_121 : memref<80x128xf32, #tpu.memory_space<vmem_shared>>) dst(%arg14 : memref<80x128xf32, #tpu.memory_space<vmem>>)
      %mul3A_122 = arith.constant 80 : i32
      %mul3A_123 = arith.muli %add3A_110, %mul3A_122 : i32
      %add3A_124 = arith.addi %add3A_100, %mul3A_123 : i32
      %dma_start3A_125 = arith.constant 0 : i32
      %dma_start3A_126 = tpu.memref_slice %arg9[%add3A_124, %dma_start3A_125] : memref<20000x128xf32, #tpu.memory_space<hbm>> -> memref<80x128xf32, #tpu.memory_space<hbm>>
      %dma_start3A_127 = arith.constant 0 : i32
      %dma_start3A_128 = tpu.memref_slice %arg9[%add3A_124, %dma_start3A_127] : memref<20000x128xf32, #tpu.memory_space<hbm>> -> memref<80x128xf32, #tpu.memory_space<hbm>>
      tpu.enqueue_dma source(%arg14 : memref<80x128xf32, #tpu.memory_space<vmem>>) target(%dma_start3A_128 : memref<80x128xf32, #tpu.memory_space<hbm>>) target_semaphore(%arg26 : memref<!tpu.dma_semaphore, #tpu.memory_space<semaphore_mem>>)
      %dma_wait3A_129 = arith.constant 0 : i32
      %dma_wait3A_130 = tpu.memref_slice %arg9[%add3A_124, %dma_wait3A_129] : memref<20000x128xf32, #tpu.memory_space<hbm>> -> memref<80x128xf32, #tpu.memory_space<hbm>>
      %dma_wait3A_131 = arith.constant 0 : i32
      %dma_wait3A_132 = tpu.memref_slice %arg9[%add3A_124, %dma_wait3A_131] : memref<20000x128xf32, #tpu.memory_space<hbm>> -> memref<80x128xf32, #tpu.memory_space<hbm>>
      tpu.wait_dma2 semaphore(%arg26 : memref<!tpu.dma_semaphore, #tpu.memory_space<semaphore_mem>>) src(%arg14 : memref<80x128xf32, #tpu.memory_space<vmem>>) dst(%dma_wait3A_132 : memref<80x128xf32, #tpu.memory_space<hbm>>)
      %mul3A_133 = arith.constant 80 : i32
      %mul3A_134 = arith.muli %add3A_110, %mul3A_133 : i32
      %add3A_135 = arith.addi %min3A_5, %mul3A_134 : i32
      %dma_start3A_136 = arith.constant 0 : i32
      %dma_start3A_137 = tpu.memref_slice %arg22[%add3A_135, %dma_start3A_136] : memref<10000x16xf32, #tpu.memory_space<vmem_shared>> -> memref<80x16xf32, #tpu.memory_space<vmem_shared>>
      %dma_start3A_138 = arith.constant 0 : i32
      %dma_start3A_139 = tpu.memref_slice %arg22[%add3A_135, %dma_start3A_138] : memref<10000x16xf32, #tpu.memory_space<vmem_shared>> -> memref<80x16xf32, #tpu.memory_space<vmem_shared>>
      tpu.enqueue_dma source(%dma_start3A_139 : memref<80x16xf32, #tpu.memory_space<vmem_shared>>) target(%arg15 : memref<80x16xf32, #tpu.memory_space<vmem>>) target_semaphore(%arg26 : memref<!tpu.dma_semaphore, #tpu.memory_space<semaphore_mem>>)
      %dma_wait3A_140 = arith.constant 0 : i32
      %dma_wait3A_141 = tpu.memref_slice %arg22[%add3A_135, %dma_wait3A_140] : memref<10000x16xf32, #tpu.memory_space<vmem_shared>> -> memref<80x16xf32, #tpu.memory_space<vmem_shared>>
      %dma_wait3A_142 = arith.constant 0 : i32
      %dma_wait3A_143 = tpu.memref_slice %arg22[%add3A_135, %dma_wait3A_142] : memref<10000x16xf32, #tpu.memory_space<vmem_shared>> -> memref<80x16xf32, #tpu.memory_space<vmem_shared>>
      tpu.wait_dma2 semaphore(%arg26 : memref<!tpu.dma_semaphore, #tpu.memory_space<semaphore_mem>>) src(%dma_wait3A_143 : memref<80x16xf32, #tpu.memory_space<vmem_shared>>) dst(%arg15 : memref<80x16xf32, #tpu.memory_space<vmem>>)
      %mul3A_144 = arith.constant 80 : i32
      %mul3A_145 = arith.muli %add3A_110, %mul3A_144 : i32
      %add3A_146 = arith.addi %add3A_100, %mul3A_145 : i32
      %dma_start3A_147 = arith.constant 0 : i32
      %dma_start3A_148 = tpu.memref_slice %arg10[%add3A_146, %dma_start3A_147] : memref<20000x16xf32, #tpu.memory_space<hbm>> -> memref<80x16xf32, #tpu.memory_space<hbm>>
      %dma_start3A_149 = arith.constant 0 : i32
      %dma_start3A_150 = tpu.memref_slice %arg10[%add3A_146, %dma_start3A_149] : memref<20000x16xf32, #tpu.memory_space<hbm>> -> memref<80x16xf32, #tpu.memory_space<hbm>>
      tpu.enqueue_dma source(%arg15 : memref<80x16xf32, #tpu.memory_space<vmem>>) target(%dma_start3A_150 : memref<80x16xf32, #tpu.memory_space<hbm>>) target_semaphore(%arg26 : memref<!tpu.dma_semaphore, #tpu.memory_space<semaphore_mem>>)
      %dma_wait3A_151 = arith.constant 0 : i32
      %dma_wait3A_152 = tpu.memref_slice %arg10[%add3A_146, %dma_wait3A_151] : memref<20000x16xf32, #tpu.memory_space<hbm>> -> memref<80x16xf32, #tpu.memory_space<hbm>>
      %dma_wait3A_153 = arith.constant 0 : i32
      %dma_wait3A_154 = tpu.memref_slice %arg10[%add3A_146, %dma_wait3A_153] : memref<20000x16xf32, #tpu.memory_space<hbm>> -> memref<80x16xf32, #tpu.memory_space<hbm>>
      tpu.wait_dma2 semaphore(%arg26 : memref<!tpu.dma_semaphore, #tpu.memory_space<semaphore_mem>>) src(%arg15 : memref<80x16xf32, #tpu.memory_space<vmem>>) dst(%dma_wait3A_154 : memref<80x16xf32, #tpu.memory_space<hbm>>)
      %mul3A_155 = arith.constant 80 : i32
      %mul3A_156 = arith.muli %add3A_110, %mul3A_155 : i32
      %add3A_157 = arith.addi %min3A_5, %mul3A_156 : i32
      %dma_start3A_158 = arith.constant 0 : i32
      %dma_start3A_159 = tpu.memref_slice %arg23[%add3A_157, %dma_start3A_158] : memref<10000x16xf32, #tpu.memory_space<vmem_shared>> -> memref<80x16xf32, #tpu.memory_space<vmem_shared>>
      %dma_start3A_160 = arith.constant 0 : i32
      %dma_start3A_161 = tpu.memref_slice %arg23[%add3A_157, %dma_start3A_160] : memref<10000x16xf32, #tpu.memory_space<vmem_shared>> -> memref<80x16xf32, #tpu.memory_space<vmem_shared>>
      tpu.enqueue_dma source(%dma_start3A_161 : memref<80x16xf32, #tpu.memory_space<vmem_shared>>) target(%arg15 : memref<80x16xf32, #tpu.memory_space<vmem>>) target_semaphore(%arg26 : memref<!tpu.dma_semaphore, #tpu.memory_space<semaphore_mem>>)
      %dma_wait3A_162 = arith.constant 0 : i32
      %dma_wait3A_163 = tpu.memref_slice %arg23[%add3A_157, %dma_wait3A_162] : memref<10000x16xf32, #tpu.memory_space<vmem_shared>> -> memref<80x16xf32, #tpu.memory_space<vmem_shared>>
      %dma_wait3A_164 = arith.constant 0 : i32
      %dma_wait3A_165 = tpu.memref_slice %arg23[%add3A_157, %dma_wait3A_164] : memref<10000x16xf32, #tpu.memory_space<vmem_shared>> -> memref<80x16xf32, #tpu.memory_space<vmem_shared>>
      tpu.wait_dma2 semaphore(%arg26 : memref<!tpu.dma_semaphore, #tpu.memory_space<semaphore_mem>>) src(%dma_wait3A_165 : memref<80x16xf32, #tpu.memory_space<vmem_shared>>) dst(%arg15 : memref<80x16xf32, #tpu.memory_space<vmem>>)
      %mul3A_166 = arith.constant 80 : i32
      %mul3A_167 = arith.muli %add3A_110, %mul3A_166 : i32
      %add3A_168 = arith.addi %add3A_100, %mul3A_167 : i32
      %dma_start3A_169 = arith.constant 0 : i32
      %dma_start3A_170 = tpu.memref_slice %arg11[%add3A_168, %dma_start3A_169] : memref<20000x16xf32, #tpu.memory_space<hbm>> -> memref<80x16xf32, #tpu.memory_space<hbm>>
      %dma_start3A_171 = arith.constant 0 : i32
      %dma_start3A_172 = tpu.memref_slice %arg11[%add3A_168, %dma_start3A_171] : memref<20000x16xf32, #tpu.memory_space<hbm>> -> memref<80x16xf32, #tpu.memory_space<hbm>>
      tpu.enqueue_dma source(%arg15 : memref<80x16xf32, #tpu.memory_space<vmem>>) target(%dma_start3A_172 : memref<80x16xf32, #tpu.memory_space<hbm>>) target_semaphore(%arg26 : memref<!tpu.dma_semaphore, #tpu.memory_space<semaphore_mem>>)
      %dma_wait3A_173 = arith.constant 0 : i32
      %dma_wait3A_174 = tpu.memref_slice %arg11[%add3A_168, %dma_wait3A_173] : memref<20000x16xf32, #tpu.memory_space<hbm>> -> memref<80x16xf32, #tpu.memory_space<hbm>>
      %dma_wait3A_175 = arith.constant 0 : i32
      %dma_wait3A_176 = tpu.memref_slice %arg11[%add3A_168, %dma_wait3A_175] : memref<20000x16xf32, #tpu.memory_space<hbm>> -> memref<80x16xf32, #tpu.memory_space<hbm>>
      tpu.wait_dma2 semaphore(%arg26 : memref<!tpu.dma_semaphore, #tpu.memory_space<semaphore_mem>>) src(%arg15 : memref<80x16xf32, #tpu.memory_space<vmem>>) dst(%dma_wait3A_176 : memref<80x16xf32, #tpu.memory_space<hbm>>)
    }
    %scan3A_105 = arith.constant 8 : i32
    return
  }
}

module attributes {stable_mosaic.version = 14 : i64} {
  func.func @_dense_body(%arg0: i32, %arg1: memref<1000x128xf32, #tpu.memory_space<vmem>>, %arg2: memref<2x1000x128xf32, #tpu.memory_space<vmem>>, %arg3: memref<2x1000x16xf32, #tpu.memory_space<vmem>>, %arg4: memref<2x1000x16xf32, #tpu.memory_space<vmem>>, %arg5: memref<128x128xf32, #tpu.memory_space<vmem>>, %arg6: memref<128x128xf32, #tpu.memory_space<vmem>>, %arg7: memref<16x128xf32, #tpu.memory_space<vmem>>, %arg8: memref<1x128xf32, #tpu.memory_space<vmem>>, %arg9: memref<128x128xf32, #tpu.memory_space<vmem>>, %arg10: memref<128x128xf32, #tpu.memory_space<vmem>>, %arg11: memref<1x128xf32, #tpu.memory_space<vmem>>, %arg12: memref<1000x128xf32, #tpu.memory_space<vmem>>) attributes {dimension_semantics = [#tpu.dimension_semantics<arbitrary>], iteration_bounds = array<i64: 10>, scalar_prefetch = 0 : i64, scratch_operands = 0 : i64, tpu.core_type = #tpu.core_type<tc>, window_params = [{transform_indices = @transform_0, window_bounds = array<i64: 1000, 128>}, {transform_indices = @transform_1, window_bounds = array<i64: 2, 1000, 128>}, {transform_indices = @transform_2, window_bounds = array<i64: 2, 1000, 16>}, {transform_indices = @transform_3, window_bounds = array<i64: 2, 1000, 16>}, {pipeline_mode = #tpu.pipeline_mode<synchronous>, transform_indices = @transform_4, window_bounds = array<i64: 128, 128>}, {pipeline_mode = #tpu.pipeline_mode<synchronous>, transform_indices = @transform_5, window_bounds = array<i64: 128, 128>}, {pipeline_mode = #tpu.pipeline_mode<synchronous>, transform_indices = @transform_6, window_bounds = array<i64: 16, 128>}, {pipeline_mode = #tpu.pipeline_mode<synchronous>, transform_indices = @transform_7, window_bounds = array<i64: 1, 128>}, {pipeline_mode = #tpu.pipeline_mode<synchronous>, transform_indices = @transform_8, window_bounds = array<i64: 128, 128>}, {pipeline_mode = #tpu.pipeline_mode<synchronous>, transform_indices = @transform_9, window_bounds = array<i64: 128, 128>}, {pipeline_mode = #tpu.pipeline_mode<synchronous>, transform_indices = @transform_10, window_bounds = array<i64: 1, 128>}, {transform_indices = @transform_11, window_bounds = array<i64: 1000, 128>}]} {
    %get3A = arith.constant 0 : index
    %get3A_0 = arith.constant 0 : index
    %get3A_1 = vector.load %arg1[%get3A, %get3A_0] : memref<1000x128xf32, #tpu.memory_space<vmem>>, vector<1000x128xf32>
    %get3A_2 = arith.constant 0 : index
    %get3A_3 = arith.constant 0 : index
    %get3A_4 = arith.constant 0 : index
    %get3A_5 = vector.load %arg2[%get3A_2, %get3A_3, %get3A_4] : memref<2x1000x128xf32, #tpu.memory_space<vmem>>, vector<1x1000x128xf32>
    %get3A_6 = vector.shape_cast %get3A_5 : vector<1x1000x128xf32> to vector<1000x128xf32>
    %get3A_7 = arith.constant 1 : index
    %get3A_8 = arith.constant 0 : index
    %get3A_9 = arith.constant 0 : index
    %get3A_10 = vector.load %arg2[%get3A_7, %get3A_8, %get3A_9] : memref<2x1000x128xf32, #tpu.memory_space<vmem>>, vector<1x1000x128xf32>
    %get3A_11 = vector.shape_cast %get3A_10 : vector<1x1000x128xf32> to vector<1000x128xf32>
    %add3A = arith.addf %get3A_6, %get3A_11 : vector<1000x128xf32>
    %get3A_12 = arith.constant 0 : index
    %get3A_13 = arith.constant 0 : index
    %get3A_14 = arith.constant 0 : index
    %get3A_15 = vector.load %arg3[%get3A_12, %get3A_13, %get3A_14] : memref<2x1000x16xf32, #tpu.memory_space<vmem>>, vector<1x1000x16xf32>
    %get3A_16 = vector.shape_cast %get3A_15 : vector<1x1000x16xf32> to vector<1000x16xf32>
    %get3A_17 = arith.constant 1 : index
    %get3A_18 = arith.constant 0 : index
    %get3A_19 = arith.constant 0 : index
    %get3A_20 = vector.load %arg3[%get3A_17, %get3A_18, %get3A_19] : memref<2x1000x16xf32, #tpu.memory_space<vmem>>, vector<1x1000x16xf32>
    %get3A_21 = vector.shape_cast %get3A_20 : vector<1x1000x16xf32> to vector<1000x16xf32>
    %add3A_22 = arith.addf %get3A_16, %get3A_21 : vector<1000x16xf32>
    %get3A_23 = arith.constant 0 : index
    %get3A_24 = arith.constant 0 : index
    %get3A_25 = arith.constant 0 : index
    %get3A_26 = vector.load %arg4[%get3A_23, %get3A_24, %get3A_25] : memref<2x1000x16xf32, #tpu.memory_space<vmem>>, vector<1x1000x1xf32>
    %get3A_27 = vector.shape_cast %get3A_26 : vector<1x1000x1xf32> to vector<1000x1xf32>
    %get3A_28 = arith.constant 1 : index
    %get3A_29 = arith.constant 0 : index
    %get3A_30 = arith.constant 0 : index
    %get3A_31 = vector.load %arg4[%get3A_28, %get3A_29, %get3A_30] : memref<2x1000x16xf32, #tpu.memory_space<vmem>>, vector<1x1000x1xf32>
    %get3A_32 = vector.shape_cast %get3A_31 : vector<1x1000x1xf32> to vector<1000x1xf32>
    %add3A_33 = arith.addf %get3A_27, %get3A_32 : vector<1000x1xf32>
    %get3A_34 = arith.constant 0 : index
    %get3A_35 = arith.constant 0 : index
    %get3A_36 = vector.load %arg5[%get3A_34, %get3A_35] : memref<128x128xf32, #tpu.memory_space<vmem>>, vector<128x128xf32>
    %dot_general3A = arith.constant dense<0.000000e+00> : vector<1000x128xf32>
    %dot_general3A_37 = tpu.matmul %add3A, %get3A_36, %dot_general3A {dimension_numbers = #tpu.dot_dimension_numbers<[1], [0], [0], [1], [0, 0, 1, 1], [], []>, transpose_lhs_hint = false} : vector<1000x128xf32>, vector<128x128xf32>, vector<1000x128xf32> -> vector<1000x128xf32>
    %get3A_38 = arith.constant 0 : index
    %get3A_39 = arith.constant 0 : index
    %get3A_40 = vector.load %arg6[%get3A_38, %get3A_39] : memref<128x128xf32, #tpu.memory_space<vmem>>, vector<128x128xf32>
    %dot_general3A_41 = arith.constant dense<0.000000e+00> : vector<1000x128xf32>
    %dot_general3A_42 = tpu.matmul %get3A_1, %get3A_40, %dot_general3A_41 {dimension_numbers = #tpu.dot_dimension_numbers<[1], [0], [0], [1], [0, 0, 1, 1], [], []>, transpose_lhs_hint = false} : vector<1000x128xf32>, vector<128x128xf32>, vector<1000x128xf32> -> vector<1000x128xf32>
    %get3A_43 = arith.constant 0 : index
    %get3A_44 = arith.constant 0 : index
    %get3A_45 = vector.load %arg8[%get3A_43, %get3A_44] : memref<1x128xf32, #tpu.memory_space<vmem>>, vector<1x128xf32>
    %add3A_46 = vector.broadcast %get3A_45 : vector<1x128xf32> to vector<1000x128xf32>
    %add3A_47 = arith.addf %dot_general3A_42, %add3A_46 : vector<1000x128xf32>
    %mul3A = vector.broadcast %add3A_33 : vector<1000x1xf32> to vector<1000x128xf32>
    %mul3A_48 = arith.mulf %mul3A, %add3A_47 : vector<1000x128xf32>
    %add3A_49 = arith.addf %dot_general3A_37, %mul3A_48 : vector<1000x128xf32>
    %get3A_50 = arith.constant 0 : index
    %get3A_51 = arith.constant 0 : index
    %get3A_52 = vector.load %arg7[%get3A_50, %get3A_51] : memref<16x128xf32, #tpu.memory_space<vmem>>, vector<16x128xf32>
    %dot_general3A_53 = arith.constant dense<0.000000e+00> : vector<1000x128xf32>
    %dot_general3A_54 = tpu.matmul %add3A_22, %get3A_52, %dot_general3A_53 {dimension_numbers = #tpu.dot_dimension_numbers<[1], [0], [0], [1], [0, 0, 1, 1], [], []>, transpose_lhs_hint = false} : vector<1000x16xf32>, vector<16x128xf32>, vector<1000x128xf32> -> vector<1000x128xf32>
    %add3A_55 = arith.addf %add3A_49, %dot_general3A_54 : vector<1000x128xf32>
    %get3A_56 = arith.constant 0 : index
    %get3A_57 = arith.constant 0 : index
    %get3A_58 = vector.load %arg9[%get3A_56, %get3A_57] : memref<128x128xf32, #tpu.memory_space<vmem>>, vector<128x128xf32>
    %dot_general3A_59 = arith.constant dense<0.000000e+00> : vector<1000x128xf32>
    %dot_general3A_60 = tpu.matmul %add3A_55, %get3A_58, %dot_general3A_59 {dimension_numbers = #tpu.dot_dimension_numbers<[1], [0], [0], [1], [0, 0, 1, 1], [], []>, transpose_lhs_hint = false} : vector<1000x128xf32>, vector<128x128xf32>, vector<1000x128xf32> -> vector<1000x128xf32>
    %get3A_61 = arith.constant 0 : index
    %get3A_62 = arith.constant 0 : index
    %get3A_63 = vector.load %arg10[%get3A_61, %get3A_62] : memref<128x128xf32, #tpu.memory_space<vmem>>, vector<128x128xf32>
    %dot_general3A_64 = arith.constant dense<0.000000e+00> : vector<1000x128xf32>
    %dot_general3A_65 = tpu.matmul %get3A_1, %get3A_63, %dot_general3A_64 {dimension_numbers = #tpu.dot_dimension_numbers<[1], [0], [0], [1], [0, 0, 1, 1], [], []>, transpose_lhs_hint = false} : vector<1000x128xf32>, vector<128x128xf32>, vector<1000x128xf32> -> vector<1000x128xf32>
    %add3A_66 = arith.addf %dot_general3A_60, %dot_general3A_65 : vector<1000x128xf32>
    %get3A_67 = arith.constant 0 : index
    %get3A_68 = arith.constant 0 : index
    %get3A_69 = vector.load %arg11[%get3A_67, %get3A_68] : memref<1x128xf32, #tpu.memory_space<vmem>>, vector<1x128xf32>
    %add3A_70 = vector.broadcast %get3A_69 : vector<1x128xf32> to vector<1000x128xf32>
    %add3A_71 = arith.addf %add3A_66, %add3A_70 : vector<1000x128xf32>
    %swap3A = arith.constant 0 : index
    %swap3A_72 = arith.constant 0 : index
    %swap3A_73 = vector.load %arg12[%swap3A, %swap3A_72] : memref<1000x128xf32, #tpu.memory_space<vmem>>, vector<1000x128xf32>
    tpu.vector_store %arg12[%swap3A, %swap3A_72], %add3A_71 {strides = array<i32>} : memref<1000x128xf32, #tpu.memory_space<vmem>>, vector<1000x128xf32>,
    return
  }
  func.func @transform_0(%arg0: i32) -> (i32, i32) {
    %c0_i32 = arith.constant 0 : i32
    %c0_i32_0 = arith.constant 0 : i32
    return %arg0, %c0_i32 : i32, i32
  }
  func.func @transform_1(%arg0: i32) -> (i32, i32, i32) {
    %c0_i32 = arith.constant 0 : i32
    %c0_i32_0 = arith.constant 0 : i32
    %c0_i32_1 = arith.constant 0 : i32
    return %c0_i32, %arg0, %c0_i32_0 : i32, i32, i32
  }
  func.func @transform_2(%arg0: i32) -> (i32, i32, i32) {
    %c0_i32 = arith.constant 0 : i32
    %c0_i32_0 = arith.constant 0 : i32
    %c0_i32_1 = arith.constant 0 : i32
    return %c0_i32, %arg0, %c0_i32_0 : i32, i32, i32
  }
  func.func @transform_3(%arg0: i32) -> (i32, i32, i32) {
    %c0_i32 = arith.constant 0 : i32
    %c0_i32_0 = arith.constant 0 : i32
    %c0_i32_1 = arith.constant 0 : i32
    return %c0_i32, %arg0, %c0_i32_0 : i32, i32, i32
  }
  func.func @transform_4(%arg0: i32) -> (i32, i32) {
    %c0_i32 = arith.constant 0 : i32
    %c0_i32_0 = arith.constant 0 : i32
    %c0_i32_1 = arith.constant 0 : i32
    return %c0_i32, %c0_i32_0 : i32, i32
  }
  func.func @transform_5(%arg0: i32) -> (i32, i32) {
    %c0_i32 = arith.constant 0 : i32
    %c0_i32_0 = arith.constant 0 : i32
    %c0_i32_1 = arith.constant 0 : i32
    return %c0_i32, %c0_i32_0 : i32, i32
  }
  func.func @transform_6(%arg0: i32) -> (i32, i32) {
    %c0_i32 = arith.constant 0 : i32
    %c0_i32_0 = arith.constant 0 : i32
    %c0_i32_1 = arith.constant 0 : i32
    return %c0_i32, %c0_i32_0 : i32, i32
  }
  func.func @transform_7(%arg0: i32) -> (i32, i32) {
    %c0_i32 = arith.constant 0 : i32
    %c0_i32_0 = arith.constant 0 : i32
    %c0_i32_1 = arith.constant 0 : i32
    return %c0_i32, %c0_i32_0 : i32, i32
  }
  func.func @transform_8(%arg0: i32) -> (i32, i32) {
    %c0_i32 = arith.constant 0 : i32
    %c0_i32_0 = arith.constant 0 : i32
    %c0_i32_1 = arith.constant 0 : i32
    return %c0_i32, %c0_i32_0 : i32, i32
  }
  func.func @transform_9(%arg0: i32) -> (i32, i32) {
    %c0_i32 = arith.constant 0 : i32
    %c0_i32_0 = arith.constant 0 : i32
    %c0_i32_1 = arith.constant 0 : i32
    return %c0_i32, %c0_i32_0 : i32, i32
  }
  func.func @transform_10(%arg0: i32) -> (i32, i32) {
    %c0_i32 = arith.constant 0 : i32
    %c0_i32_0 = arith.constant 0 : i32
    %c0_i32_1 = arith.constant 0 : i32
    return %c0_i32, %c0_i32_0 : i32, i32
  }
  func.func @transform_11(%arg0: i32) -> (i32, i32) {
    %c0_i32 = arith.constant 0 : i32
    %c0_i32_0 = arith.constant 0 : i32
    return %arg0, %c0_i32 : i32, i32
  }
}

</mosaic_0001>

<sc_bundles>
// kernel: kernel.4.cloned.1.call-start
scs
__scs_entry_jumppad:
0x0: {  	(pc) =	sbr.rel $0x88, $3  }
0x1: {  	(tag) =	ssettag $0x0;
	lr =	simm.s32 $0x1  }
0x2: {  	[smem:$0x3F9A] =	sst lr;
	_ =	strace $0xD0000000  }
0x3: {  	_ = 	snop  }
0x4: {  	_ = 	snop  }
0x5: {  	_ = 	snop  }
0x6: {  	_ = 	snop  }
0x7: {  	_ = 	snop  }
__scs_overlays_trampoline_lowered:
0x8: {  	[smem:$0x3FA9] =	sst s0  }
0x9: {  	[smem:$0x3FAA] =	sst s1  }
0xa: {  	[smem:$0x3FAB] =	sst s2  }
0xb: {  	[smem:$0x3FAC] =	sst s3  }
0xc: {  	[smem:$0x3FAD] =	sst s4  }
0xd: {  	[smem:$0x3FAE] =	sst s5  }
0xe: {  	[smem:$0x3FAF] =	sst s6  }
0xf: {  	[smem:$0x3FB0] =	sst s7  }
0x10: {  	[smem:$0x3FB1] =	sst s8  }
0x11: {  	[smem:$0x3FB2] =	sst s9;
	s0 =	simm.s32 @!p0 $0x0  }
0x12: {  	s1 =	sld [smem:$0x3F98];
	s0 =	simm.s32 @p0 $0x1  }
0x13: {  	[smem:$0x3FB3] =	sst s0;
	s0 =	simm.s32 @!p1 $0x0  }
0x14: {  	s2 =	sld [smem:$0x3F97];
	s0 =	simm.s32 @p1 $0x1  }
0x15: {  	[smem:$0x3FB4] =	sst s0;
	s0 =	simm.s32 @!p2 $0x0  }
0x16: {  	s3 =	sld [smem:$0x3FDB];
	s0 =	simm.s32 @p2 $0x1  }
0x17: {  	s4 =	simm.s32 $0x1BF5;
	[smem:$0x3FB6] =	sst s0  }
0x18: {  	s0 =	sld [smem:$0x3F99];
	_ =	swait.ge [sflag:s4], $0x0  }
0x19: {  	s7 =	sld [smem:$0x3F9A]  }
0x1a: {  	s8 =	sadd.s32 $0xFFFFE003, lr  }
0x1b: {  	s9 =	sadd.s32 $0xFFFFFEF7, lr;
	s5 =	simm.s32 $0xFFFFFFFF;
	p2 =	slt.u32 s8, $0xFFFFF086  }
0x1c: {  	p1 =	slt.u32 s9, $0xF7A;
	s5 =	simm.s32 @!p2 $0x0  }
0x1d: {  	s5 =	simm.s32 @p1 $0x1;
	p0 =	seq.s32 s7, s2  }
0x1e: {  	s7 =	smul.u32 @!p0 $0xF7A, s2;
	p2 =	seq.s32 @!p0 s5, $0x0  }
0x1f: {  	s9 =	smul.u32 $0xF7A, s1;
	s8 =	simm.s32 @!p0 $0x1BF5;
	p2 =	por !p2, p0  }
0x20: {  	[sflag:s8] =	ssyncset.s32 @!p0 $0xFFFFF086;
	s6 =	sadd.s32 @!p0 s3, s7;
	s7 =	simm.s32 @!p0 $0x108  }
0x21: {  	s3 =	sadd.s32 s3, s9;
	s6 =	sadd.s32 @!p0 $0x88, s6;
	s7 =	simm.s32 @p2 $0x1082  }
0x22: {  	[simem:s7], [sflag:s8] =	dma.local @!p0 [hbm:s6], $0xF7A  }
0x23: {  	s9 =	sor.u32 $0xD0000000, s2;
	s6 =	simm.s32 $0x108;
	_ =	swait.ge @!p0 [sflag:s8], $0x0  }
0x24: {  	s3 =	sadd.s32 $0x88, s3;
	s6 =	simm.s32 @!p1 $0x1082;
	[sflag:s4] =	ssyncset.s32 $0xFFFFF086  }
0x25: {  	[simem:s6], [sflag:s4] =	dma.local [hbm:s3], $0xF7A  }
0x26: {  	[smem:$0x3F9A] =	sst s1;
	(tag) =	ssettag s2;
	_ =	strace s9  }
0x27: {  	s1 =	sld [smem:$0x3FAA]  }
0x28: {  	s2 =	sld [smem:$0x3FAB]  }
0x29: {  	s4 =	sld [smem:$0x3FAD]  }
0x2a: {  	p0 =	seq.s32 s5, $0x0;
	s5 =	sld [smem:$0x3FAE]  }
0x2b: {  	s6 =	sld [smem:$0x3FAF]  }
0x2c: {  	s7 =	sld [smem:$0x3FB0]  }
0x2d: {  	s3 =	simm.s32 $0x108;
	s8 =	sld [smem:$0x3FB1]  }
0x2e: {  	s3 =	simm.s32 @!p0 $0x1082;
	s9 =	sld [smem:$0x3FB2]  }
0x2f: {  	lr =	sadd.s32 s0, s3;
	s0 =	sld [smem:$0x3FA9]  }
0x30: {  	s3 =	sld [smem:$0x3FAC]  }
0x31: {  	[smem:$0x3FB5] =	sst s10  }
0x32: {  	s10 =	sld [smem:$0x3FB3];
	_ =	sdelay $0x3  }
0x33: {  	p0 =	seq.s32 s10, $0x1;
	s10 =	sld [smem:$0x3FB5];
	_ =	sdelay $0x3  }
0x34: {  	[smem:$0x3FB5] =	sst s10  }
0x35: {  	s10 =	sld [smem:$0x3FB4];
	_ =	sdelay $0x3  }
0x36: {  	p1 =	seq.s32 s10, $0x1;
	s10 =	sld [smem:$0x3FB5];
	_ =	sdelay $0x3  }
0x37: {  	[smem:$0x3FB5] =	sst s10  }
0x38: {  	s10 =	sld [smem:$0x3FB6]  }
0x39: {  	_ = 	snop;
	(pc) =	sbr.ind lr, $3  }
0x3a: {  	_ = 	snop  }
0x3b: {  	_ = 	snop  }
0x3c: {  	p2 =	seq.s32 s10, $0x1;
	s10 =	sld [smem:$0x3FB5]  }
0x3d: {  	_ =	shalt  }
0x3e: {  	_ =	shalt  }
0x3f: {  	_ =	shalt  }
0x40: {  	_ =	shalt  }
0x41: {  	_ =	shalt  }
0x42: {  	_ =	shalt  }
0x43: {  	_ =	shalt  }
0x44: {  	_ =	shalt  }
0x45: {  	_ =	shalt  }
0x46: {  	_ =	shalt  }
0x47: {  	_ =	shalt  }
0x48: {  	_ =	shalt  }
0x49: {  	_ =	shalt  }
0x4a: {  	_ =	shalt  }
0x4b: {  	_ =	shalt  }
0x4c: {  	_ =	shalt  }
0x4d: {  	_ =	shalt  }
0x4e: {  	_ =	shalt  }
0x4f: {  	_ =	shalt  }
0x50: {  	_ =	shalt  }
0x51: {  	_ =	shalt  }
0x52: {  	_ =	shalt  }
0x53: {  	_ =	shalt  }
0x54: {  	_ =	shalt  }
0x55: {  	_ =	shalt  }
0x56: {  	_ =	shalt  }
0x57: {  	_ =	shalt  }
0x58: {  	_ =	shalt  }
0x59: {  	_ =	shalt  }
0x5a: {  	_ =	shalt  }
0x5b: {  	_ =	shalt  }
0x5c: {  	_ =	shalt  }
0x5d: {  	_ =	shalt  }
0x5e: {  	_ =	shalt  }
0x5f: {  	_ =	shalt  }
0x60: {  	_ =	shalt  }
0x61: {  	_ =	shalt  }
0x62: {  	_ =	shalt  }
0x63: {  	_ =	shalt  }
0x64: {  	_ =	shalt  }
0x65: {  	_ =	shalt  }
0x66: {  	_ =	shalt  }
0x67: {  	_ =	shalt  }
0x68: {  	_ =	shalt  }
0x69: {  	_ =	shalt  }
0x6a: {  	_ =	shalt  }
0x6b: {  	_ =	shalt  }
0x6c: {  	_ =	shalt  }
0x6d: {  	_ =	shalt  }
0x6e: {  	_ =	shalt  }
0x6f: {  	_ =	shalt  }
0x70: {  	_ =	shalt  }
0x71: {  	_ =	shalt  }
0x72: {  	_ =	shalt  }
0x73: {  	_ =	shalt  }
0x74: {  	_ =	shalt  }
0x75: {  	_ =	shalt  }
0x76: {  	_ =	shalt  }
0x77: {  	_ =	shalt  }
0x78: {  	_ =	shalt  }
0x79: {  	_ =	shalt  }
0x7a: {  	_ =	shalt  }
0x7b: {  	_ =	shalt  }
0x7c: {  	_ =	shalt  }
0x7d: {  	_ =	shalt  }
0x7e: {  	_ =	shalt  }
0x7f: {  	_ =	shalt  }
0x80: {  	_ =	shalt  }
0x81: {  	_ =	shalt  }
0x82: {  	_ =	shalt  }
0x83: {  	_ =	shalt  }
0x84: {  	_ =	shalt  }
0x85: {  	_ =	shalt  }
0x86: {  	_ =	shalt  }
0x87: {  	_ =	shalt  }
.Lfunc_end0:
.L_simem_size_0:
called_computation_lowered:
.L_overlay_start_0:
0x88: {  	s2 =	sld [smem:$0x3FD9]  }
0x89: {  	s3 =	sld [smem:$0x3FFE];
	_ =	sdelay $0x1  }
0x8a: {  	s1 =	srdreg.scid  }
0x8b: {  	s0 =	sand.u32 $0x1, s1  }
0x8c: {  	s17 =	sshll.u32 s0, $0xA;
	s2 =	sadd.s32 s3, s2  }
0x8d: {  	s2 =	sadd.s32 s2, s17  }
0x8e: {  	[smem:$0x3FC1] =	sst s2  }
0x8f: {  	_ = 	snop  }
0x90: {  	s2 =	sld [smem:$0x3FC9]  }
0x91: {  	s18 =	sld [smem:$0x3FD0];
	(tm) =	ssettm $0x1  }
0x92: {  	s4 =	sld [smem:$0x3FFB];
	_ =	sdelay $0x3  }
0x93: {  	_ =	strace s4  }
0x94: {  	s4 =	sld [smem:$0x3FFC];
	_ =	sdelay $0x3  }
0x95: {  	_ =	strace s4  }
0x96: {  	s4 =	sld [smem:$0x3FFD];
	_ =	sdelay $0x3  }
0x97: {  	_ =	strace s4  }
0x98: {  	_ =	strace $0x8FFFFFFF  }
0x99: {  	s19 =	sld [smem:$0x3FDB];
	_ =	sdelay $0x1  }
0x9a: {  	s5 =	simm.s32 $_scs_section_size  }
0x9b: {  	s6 =	simm.s32 $_size__tile_overlayer_lowered;
	s7 =	simm.s32 $_tile_overlayer_lowered  }
0x9c: {  	s22 =	simm.s32 $0x1BFF;
	s21 =	sshll.u32 s7, $0x1;
	s4 =	sadd.s32 s5, s19  }
0x9d: {  	s8 =	simm.s32 $0x0;
	s20 =	sshll.u32 s6, $0x1;
	s6 =	sadd.s32 s21, s4  }
0x9e: {  	[timem:s8], [sflag:s22] =	dma.local [hbm:s6], s20  }
0x9f: {  	_ =	swait.ge [sflag:s22], s20  }
0xa0: {  	s5 =	ssub.s32 $0x0, s20;
	[sflag:s22] =	ssyncset.done $0x0  }
0xa1: {  	[sflag:s22] =	ssyncadd.s32 s5;
	_ =	sdelay $0x1  }
0xa2: {  	s23 =	simm.s32 $0x1B8B  }
0xa3: {  	_ =	swait.ge [sflag:s23], $0x1  }
0xa4: {  	[sflag:s23] =	ssyncset.done $0x0  }
0xa5: {  	s25 =	simm.s32 $0x1B8E;
	s24 =	sld [smem:$0x3FFE];
	[sflag:s23] =	ssyncadd.s32 $0xFFFFFFFF  }
0xa6: {  	s26 =	simm.s32 $execute0_lowered;
	[smem:$0x3FD2] =	sst s25  }
0xa7: {  	s6 =	sshll.u32 s26, $0x1;
	_ =	strace $0x80000046;
	[dreg:$0x1] =	wrdreg $0xFFFFFFFF  }
0xa8: {  	s28 =	simm.s32 $_size_execute0_lowered;
	s4 =	sadd.s32 s4, s6;
	[dreg:$0x0] =	wrdreg $0x0  }
0xa9: {  	s6 =	sshll.u32 s28, $0x1;
	[dreg:$0x2] =	wrdreg s4  }
0xaa: {  	[dreg:$0x3] =	wrdreg s6  }
0xab: {  	[dreg:$0x4] =	wrdreg $0xC0  }
0xac: {  	_ =	task [dreg:s8], $0x5FFFF  }
0xad: {  	[dreg:$0x1] =	wrdreg $0xFFFFFFFF  }
0xae: {  	[dreg:$0x0] =	wrdreg $0x60  }
0xaf: {  	[dreg:$0x2] =	wrdreg s2  }
0xb0: {  	[dreg:$0x3] =	wrdreg s24  }
0xb1: {  	[dreg:$0x4] =	wrdreg s18  }
0xb2: {  	[dreg:$0x5] =	wrdreg $0x60400  }
0xb3: {  	[dreg:$0x6] =	wrdreg $0x198C00  }
0xb4: {  	[dreg:$0x7] =	wrdreg $0x1BFD00  }
0xb5: {  	[dreg:$0x8] =	wrdreg $0x9  }
0xb6: {  	_ =	task.clear_ibuf [dreg:s8], $0x9FFFF;
	_ =	strace $0x90000046  }
0xb7: {  	s29 =	simm.s32 $0x9;
	_ =	strace $0x80000048  }
0xb8: {  	_ =	swait.ge [sflag:s29], $0x1  }
0xb9: {  	[sflag:s29] =	ssyncadd.s32 $0xFFFFFFFF  }
0xba: {  	_ =	strace $0x90000048  }
0xbb: {  	_ =	sfence  }
0xbc: {  	s30 =	sld [smem:$0x0];
	_ =	sdelay $0x2  }
0xbd: {  	s31 =	sshll.u32 s1, $0xD;
	s1 =	sshrl.u32 s1, $0x2  }
0xbe: {  	s3 =	sand.u32 $0x4000, s31;
	s1 =	sadd.s32 s1, s30  }
0xbf: {  	s0 =	sor.u32 s3, s0;
	s1 =	sshll.u32 s1, $0x11  }
0xc0: {  	s0 =	sor.u32 s1, s0  }
0xc1: {  	s0 =	sadd.s32 $0x8F2B, s0  }
0xc2: {  	[sflag:s0] =	ssyncadd.remote.s32 $0x1  }
0xc3: {  	_ =	sfence.sel $0xFFFF  }
0xc4: {  	[dreg:$0x0] =	wrdreg $0xFFFFFFFF;
	(pc) =	sbr.abs _section_cstart, $3  }
0xc5: {  	[dreg:$0x1] =	wrdreg $0xFFFFFFFF  }
0xc6: {  	_ =	task.clear_ibuf [dreg:s8], $0x2FFFF;
	_ =	strace $0x9FFFFFFF  }
0xc7: {  	(tm) =	ssettm $0x7FFFFFFF  }
tec
execute0_lowered:
.L_overlay_start_1:
0x0: {  	(tag) =	ssettag $0x1  }
0x1: {  	s1 =	rddreg [dreg:$0x0]  }
0x2: {  	s0 =	rddreg [dreg:$0x1]  }
0x3: {  	s2 =	rddreg [dreg:$0x2]  }
0x4: {  	s3 =	rddreg [dreg:$0x3]  }
0x5: {  	s4 =	rddreg [dreg:$0x4]  }
0x6: {  	s5 =	rddreg [dreg:$0x5]  }
0x7: {  	s7 =	simm.s32 $0x0;
	s6 =	srdreg.scid;
	s19 =	stileid.u32  }
0x8: {  	s28 =	simm.s32 $0x5B40;
	s30 =	simm.s32 $0x2E40;
	s31 =	simm.s32 $0x5640  }
0x9: {  	[smem:$0x7FF] =	sst s7;
	s6 =	sand.u32 $0x1, s6;
	s21 =	smul.u32 $0x280, s19  }
0xa: {  	s10 =	sshll.u32 s19, $0x1;
	s8 =	sadd.s32 $0x1200, s0;
	s16 =	smul.u32 $0x4E20, s19  }
0xb: {  	s12 =	sadd.s32 $0x4ED000, s0;
	s13 =	sadd.s32 $0xB000, s0;
	s23 =	smul.u32 $0x9C40, s19  }
0xc: {  	s14 =	sadd.s32 $0xB200, s0;
	s20 =	sadd.s32 $0xB800, s0;
	s9 =	smul.u32 $0x27100, s6  }
0xd: {  	_ =	strace $0x80000047;
	s11 =	smul.u32 $0x4E20, s6;
	[dreg:$0xb] =	wrdreg s13  }
0xe: {  	s10 =	sor.u32 s6, s10;
	[dreg:$0xc] =	wrdreg s14;
	s18 =	smul.u32 $0x2710, s6  }
0xf: {  	[dreg:$0xd] =	wrdreg s20;
	s15 =	ssub.s32 $0x2, s6;
	s29 =	smul.u32 $0x2710, s10  }
0x10: {  	s22 =	sshrl.u32 s15, $0x1;
	s6 =	smin.u32 s21, $0x2490;
	s10 =	smul.u32 $0x4E20, s10  }
0x11: {  	s26 =	sadd.s32 s23, s12;
	s9 =	sadd.s32 s9, s0;
	s17 =	sadd.s32 s11, s0  }
0x12: {  	s15 =	ssub.s32 s15, s22;
	s0 =	sadd.s32 s18, s16;
	s22 =	simm.s32 $0x2DC8  }
0x13: {  	s18 =	sshll.u32 s6, $0x7;
	s10 =	sadd.s32 s12, s10;
	[dreg:$0x9] =	wrdreg s22  }
0x14: {  	s21 =	sshll.u32 s6, $0x4;
	s15 =	smax.u32 s15, $0x1;
	[dreg:$0x10] =	wrdreg s10  }
0x15: {  	s13 =	sshrl.u32 s29, $0x3;
	s20 =	sadd.s32 s18, s3;
	[dreg:$0x11] =	wrdreg s15  }
0x16: {  	s25 =	sadd.s32 $0x50, s0;
	s0 =	sadd.s32 $0xA0, s0;
	[dreg:$0x12] =	wrdreg s20  }
0x17: {  	s23 =	sshll.u32 s6, $0x1;
	s24 =	sadd.s32 s8, s13;
	[smem:$0x7FC] =	sst s0  }
0x18: {  	s9 =	sadd.s32 s21, s9;
	s13 =	sadd.s32 s2, s13;
	[dreg:$0xe] =	wrdreg s24  }
0x19: {  	s10 =	sadd.s32 s11, s26;
	s26 =	sadd.s32 s21, s4;
	[dreg:$0xf] =	wrdreg s13  }
0x1a: {  	s29 =	sshrl.u32 s25, $0x3;
	s11 =	sadd.s32 s21, s5;
	[dreg:$0x14] =	wrdreg s26  }
0x1b: {  	s19 =	sadd.s32 s29, s2;
	s13 =	sshll.u32 s25, $0x1;
	[dreg:$0x15] =	wrdreg s11  }
0x1c: {  	s14 =	sadd.s32 s29, s8;
	s24 =	simm.s32 $0x4240;
	[dreg:$0x7] =	wrdreg s19  }
0x1d: {  	s25 =	sadd.s32 $0x50, s6;
	s12 =	sadd.s32 s13, s12;
	[dreg:$0x8] =	wrdreg s14  }
0x1e: {  	s13 =	sadd.s32 s23, s17;
	[dreg:$0xa] =	wrdreg s24;
	s29 =	sshll.u32 s25, $0x7  }
0x1f: {  	s15 =	sshll.u32 s25, $0x4;
	s17 =	sadd.s32 $0xA0, s6;
	s19 =	sadd.s32 $0xF0, s6  }
0x20: {  	[dreg:$0x13] =	wrdreg s12;
	s12 =	sadd.s32 s29, s3;
	s16 =	sadd.s32 s15, s4  }
0x21: {  	s11 =	sadd.s32 s15, s5;
	s18 =	sshll.u32 s17, $0x7;
	[dreg:$0x16] =	wrdreg s12  }
0x22: {  	s21 =	sshll.u32 s19, $0x7;
	s23 =	sshll.u32 s19, $0x4;
	[dreg:$0x17] =	wrdreg s16  }
0x23: {  	s29 =	sadd.s32 $0x190, s6;
	[dreg:$0x18] =	wrdreg s11;
	s12 =	sadd.s32 s18, s3  }
0x24: {  	s11 =	sshll.u32 s17, $0x4;
	s22 =	sadd.s32 s21, s3;
	[dreg:$0x19] =	wrdreg s12  }
0x25: {  	s24 =	sadd.s32 s23, s4;
	s16 =	sshll.u32 s29, $0x7;
	[dreg:$0x1c] =	wrdreg s22  }
0x26: {  	s18 =	sshll.u32 s29, $0x4;
	s29 =	sadd.s32 $0x1F600, s9;
	[dreg:$0x1d] =	wrdreg s24  }
0x27: {  	s25 =	sadd.s32 $0x140, s6;
	s20 =	sadd.s32 s11, s4;
	[smem:$0x7FD] =	sst s29  }
0x28: {  	s26 =	sshll.u32 s25, $0x7;
	s11 =	sadd.s32 s11, s5;
	[dreg:$0x1a] =	wrdreg s20  }
0x29: {  	s0 =	simm.s32 $0x3;
	s12 =	sadd.s32 s26, s3;
	[dreg:$0x1b] =	wrdreg s11  }
0x2a: {  	s14 =	simm.s32 $0x28;
	s17 =	sadd.s32 s16, s3;
	[dreg:$0x1f] =	wrdreg s12  }
0x2b: {  	s9 =	simm.s32 $0x28A0;
	s19 =	sadd.s32 s18, s4;
	[smem:$0x7F2] =	sst s17  }
0x2c: {  	s26 =	sadd.s32 $0x140, s10;
	s10 =	simm.s32 $0x2DF0;
	[smem:$0x7F3] =	sst s19  }
0x2d: {  	s11 =	sadd.s32 s23, s5;
	s20 =	sadd.s32 $0x1E0, s6;
	[smem:$0x7FB] =	sst s26  }
0x2e: {  	s6 =	sadd.s32 $0x230, s6;
	[dreg:$0x1e] =	wrdreg s11;
	s11 =	sshll.u32 s25, $0x4  }
0x2f: {  	s26 =	sadd.s32 $0xBA00, s13;
	s17 =	simm.s32 $0x4;
	s15 =	sadd.s32 s11, s4  }
0x30: {  	s21 =	sshll.u32 s20, $0x7;
	s11 =	sadd.s32 s11, s5;
	[smem:$0x7F0] =	sst s15  }
0x31: {  	s23 =	sshll.u32 s6, $0x7;
	s12 =	sadd.s32 s21, s3;
	[smem:$0x7F1] =	sst s11  }
0x32: {  	s6 =	sshll.u32 s6, $0x4;
	s24 =	sadd.s32 s23, s3;
	[smem:$0x7F5] =	sst s12  }
0x33: {  	s25 =	sadd.s32 s6, s4;
	s6 =	sadd.s32 s6, s5;
	[smem:$0x7F8] =	sst s24  }
0x34: {  	s21 =	simm.s32 $0x2DA0;
	s11 =	sadd.s32 s18, s5;
	[smem:$0x7F9] =	sst s25  }
0x35: {  	[smem:$0x7FA] =	sst s6;
	s25 =	sadd.s32 $0x15800, s13;
	s6 =	simm.s32 $0x50  }
0x36: {  	s12 =	simm.s32 $0x5;
	[smem:$0x7F4] =	sst s11;
	s11 =	sshll.u32 s20, $0x4  }
0x37: {  	s15 =	simm.s32 $0xA0;
	s13 =	simm.s32 $0x2;
	s22 =	sadd.s32 s11, s4  }
0x38: {  	s18 =	simm.s32 $0x0;
	s11 =	sadd.s32 s11, s5;
	[smem:$0x7F6] =	sst s22  }
0x39: {  	s20 =	simm.s32 $0x14A0;
	[smem:$0x7F7] =	sst s11;
	s11 =	simm.s32 $0x1  }
.LBB2_1:
0x3a: {  	[smem:$0x7EF] =	sst s18  }
0x3b: {  	s16 =	rddreg [dreg:$0xb];
	s19 =	simm.s32 $0x6  }
0x3c: {  	[tilespmem:s28], [sflag:$0x6] =	stream.linear.gather [hbm4b:s16+s7], $0x500, $0x38;
	[tilespmem:$0x1E6E0] =	vst v63  }
0x3d: {  	_ =	swait.ge [sflag:s19], $0x500  }
0x3e: {  	[sflag:s19] =	ssyncset.done $0x0  }
0x3f: {  	s23 =	rddreg [dreg:$0xc];
	[sflag:s19] =	ssyncadd.s32 $0xFFFFFB00  }
0x40: {  	[tilespmem:s30], [sflag:$0x6] =	stream.linear.gather [hbm4b:s23+s7], $0x2800, $0x38;
	[tilespmem:$0x1E6E0] =	vst v63  }
0x41: {  	_ =	swait.ge [sflag:s19], $0x2800  }
0x42: {  	[sflag:s19] =	ssyncset.done $0x0  }
0x43: {  	s24 =	rddreg [dreg:$0xd];
	[sflag:s19] =	ssyncadd.s32 $0xFFFFD800  }
0x44: {  	[tilespmem:s31], [sflag:$0x6] =	stream.linear.gather [hbm4b:s24+s7], $0x500, $0x38;
	[tilespmem:$0x1E6E0] =	vst v63  }
0x45: {  	_ =	swait.ge [sflag:s19], $0x500  }
0x46: {  	[sflag:s19] =	ssyncset.done $0x0  }
0x47: {  	s29 =	rddreg [dreg:$0x12];
	[sflag:s19] =	ssyncadd.s32 $0xFFFFFB00  }
0x48: {  	[spmem:s29] =	stream.linear.scatter [tilespmem:s30], [sflag:$0x3], $0x2800, $0x38;
	[tilespmem:$0x1E6E0] =	vst v63  }
0x49: {  	_ =	swait.ge [sflag:s0], $0x2800  }
0x4a: {  	[sflag:s0] =	ssyncset.done $0x0  }
0x4b: {  	s18 =	rddreg [dreg:$0x14];
	[sflag:s0] =	ssyncadd.s32 $0xFFFFD800  }
0x4c: {  	[spmem:s18] =	stream.linear.scatter [tilespmem:s31], [sflag:$0x3], $0x500, $0x38;
	[tilespmem:$0x1E6E0] =	vst v63  }
0x4d: {  	_ =	swait.ge [sflag:s0], $0x500  }
0x4e: {  	[sflag:s0] =	ssyncset.done $0x0  }
0x4f: {  	s22 =	rddreg [dreg:$0x15];
	[sflag:s0] =	ssyncadd.s32 $0xFFFFFB00  }
0x50: {  	[spmem:s22] =	stream.linear.scatter [tilespmem:s31], [sflag:$0x3], $0x500, $0x38;
	[tilespmem:$0x1E6E0] =	vst v63  }
0x51: {  	_ =	swait.ge [sflag:s0], $0x500  }
0x52: {  	[sflag:s0] =	ssyncset.done $0x0  }
0x53: {  	s23 =	rddreg [dreg:$0x16];
	[sflag:s0] =	ssyncadd.s32 $0xFFFFFB00  }
0x54: {  	[spmem:s23] =	stream.linear.scatter [tilespmem:s30], [sflag:$0x3], $0x2800, $0x38;
	[tilespmem:$0x1E6E0] =	vst v63  }
0x55: {  	_ =	swait.ge [sflag:s0], $0x2800  }
0x56: {  	[sflag:s0] =	ssyncset.done $0x0  }
0x57: {  	s24 =	rddreg [dreg:$0x17];
	[sflag:s0] =	ssyncadd.s32 $0xFFFFD800  }
0x58: {  	[spmem:s24] =	stream.linear.scatter [tilespmem:s31], [sflag:$0x3], $0x500, $0x38;
	[tilespmem:$0x1E6E0] =	vst v63  }
0x59: {  	_ =	swait.ge [sflag:s0], $0x500  }
0x5a: {  	[sflag:s0] =	ssyncset.done $0x0  }
0x5b: {  	s29 =	rddreg [dreg:$0x18];
	[sflag:s0] =	ssyncadd.s32 $0xFFFFFB00  }
0x5c: {  	[spmem:s29] =	stream.linear.scatter [tilespmem:s31], [sflag:$0x3], $0x500, $0x38;
	[tilespmem:$0x1E6E0] =	vst v63  }
0x5d: {  	_ =	swait.ge [sflag:s0], $0x500  }
0x5e: {  	[sflag:s0] =	ssyncset.done $0x0  }
0x5f: {  	s18 =	rddreg [dreg:$0x19];
	[sflag:s0] =	ssyncadd.s32 $0xFFFFFB00  }
0x60: {  	[spmem:s18] =	stream.linear.scatter [tilespmem:s30], [sflag:$0x3], $0x2800, $0x38;
	[tilespmem:$0x1E6E0] =	vst v63  }
0x61: {  	_ =	swait.ge [sflag:s0], $0x2800  }
0x62: {  	[sflag:s0] =	ssyncset.done $0x0  }
0x63: {  	s22 =	rddreg [dreg:$0x1a];
	[sflag:s0] =	ssyncadd.s32 $0xFFFFD800  }
0x64: {  	[spmem:s22] =	stream.linear.scatter [tilespmem:s31], [sflag:$0x3], $0x500, $0x38;
	[tilespmem:$0x1E6E0] =	vst v63  }
0x65: {  	_ =	swait.ge [sflag:s0], $0x500  }
0x66: {  	[sflag:s0] =	ssyncset.done $0x0  }
0x67: {  	s23 =	rddreg [dreg:$0x1b];
	[sflag:s0] =	ssyncadd.s32 $0xFFFFFB00  }
0x68: {  	[spmem:s23] =	stream.linear.scatter [tilespmem:s31], [sflag:$0x3], $0x500, $0x38;
	[tilespmem:$0x1E6E0] =	vst v63  }
0x69: {  	_ =	swait.ge [sflag:s0], $0x500  }
0x6a: {  	[sflag:s0] =	ssyncset.done $0x0  }
0x6b: {  	s24 =	rddreg [dreg:$0x1c];
	[sflag:s0] =	ssyncadd.s32 $0xFFFFFB00  }
0x6c: {  	[spmem:s24] =	stream.linear.scatter [tilespmem:s30], [sflag:$0x3], $0x2800, $0x38;
	[tilespmem:$0x1E6E0] =	vst v63  }
0x6d: {  	_ =	swait.ge [sflag:s0], $0x2800  }
0x6e: {  	[sflag:s0] =	ssyncset.done $0x0  }
0x6f: {  	s29 =	rddreg [dreg:$0x1d];
	[sflag:s0] =	ssyncadd.s32 $0xFFFFD800  }
0x70: {  	[spmem:s29] =	stream.linear.scatter [tilespmem:s31], [sflag:$0x3], $0x500, $0x38;
	[tilespmem:$0x1E6E0] =	vst v63  }
0x71: {  	_ =	swait.ge [sflag:s0], $0x500  }
0x72: {  	[sflag:s0] =	ssyncset.done $0x0  }
0x73: {  	s18 =	rddreg [dreg:$0x1e];
	[sflag:s0] =	ssyncadd.s32 $0xFFFFFB00  }
0x74: {  	[spmem:s18] =	stream.linear.scatter [tilespmem:s31], [sflag:$0x3], $0x500, $0x38;
	[tilespmem:$0x1E6E0] =	vst v63  }
0x75: {  	_ =	swait.ge [sflag:s0], $0x500  }
0x76: {  	[sflag:s0] =	ssyncset.done $0x0  }
0x77: {  	s22 =	rddreg [dreg:$0x1f];
	[sflag:s0] =	ssyncadd.s32 $0xFFFFFB00  }
0x78: {  	[spmem:s22] =	stream.linear.scatter [tilespmem:s30], [sflag:$0x3], $0x2800, $0x38;
	[tilespmem:$0x1E6E0] =	vst v63  }
0x79: {  	_ =	swait.ge [sflag:s0], $0x2800  }
0x7a: {  	s23 =	sld [smem:$0x7F0]  }
0x7b: {  	[sflag:s0] =	ssyncset.done $0x0  }
0x7c: {  	[sflag:s0] =	ssyncadd.s32 $0xFFFFD800  }
0x7d: {  	[spmem:s23] =	stream.linear.scatter [tilespmem:s31], [sflag:$0x3], $0x500, $0x38;
	[tilespmem:$0x1E6E0] =	vst v63  }
0x7e: {  	_ =	swait.ge [sflag:s0], $0x500  }
0x7f: {  	s24 =	sld [smem:$0x7F1]  }
0x80: {  	[sflag:s0] =	ssyncset.done $0x0  }
0x81: {  	[sflag:s0] =	ssyncadd.s32 $0xFFFFFB00  }
0x82: {  	[spmem:s24] =	stream.linear.scatter [tilespmem:s31], [sflag:$0x3], $0x500, $0x38;
	[tilespmem:$0x1E6E0] =	vst v63  }
0x83: {  	_ =	swait.ge [sflag:s0], $0x500  }
0x84: {  	s29 =	sld [smem:$0x7F2]  }
0x85: {  	[sflag:s0] =	ssyncset.done $0x0  }
0x86: {  	[sflag:s0] =	ssyncadd.s32 $0xFFFFFB00  }
0x87: {  	[spmem:s29] =	stream.linear.scatter [tilespmem:s30], [sflag:$0x3], $0x2800, $0x38;
	[tilespmem:$0x1E6E0] =	vst v63  }
0x88: {  	_ =	swait.ge [sflag:s0], $0x2800  }
0x89: {  	s18 =	sld [smem:$0x7F3]  }
0x8a: {  	[sflag:s0] =	ssyncset.done $0x0  }
0x8b: {  	[sflag:s0] =	ssyncadd.s32 $0xFFFFD800  }
0x8c: {  	[spmem:s18] =	stream.linear.scatter [tilespmem:s31], [sflag:$0x3], $0x500, $0x38;
	[tilespmem:$0x1E6E0] =	vst v63  }
0x8d: {  	_ =	swait.ge [sflag:s0], $0x500  }
0x8e: {  	s22 =	sld [smem:$0x7F4]  }
0x8f: {  	[sflag:s0] =	ssyncset.done $0x0  }
0x90: {  	[sflag:s0] =	ssyncadd.s32 $0xFFFFFB00  }
0x91: {  	[spmem:s22] =	stream.linear.scatter [tilespmem:s31], [sflag:$0x3], $0x500, $0x38;
	[tilespmem:$0x1E6E0] =	vst v63  }
0x92: {  	_ =	swait.ge [sflag:s0], $0x500  }
0x93: {  	s23 =	sld [smem:$0x7F5]  }
0x94: {  	[sflag:s0] =	ssyncset.done $0x0  }
0x95: {  	[sflag:s0] =	ssyncadd.s32 $0xFFFFFB00  }
0x96: {  	[spmem:s23] =	stream.linear.scatter [tilespmem:s30], [sflag:$0x3], $0x2800, $0x38;
	[tilespmem:$0x1E6E0] =	vst v63  }
0x97: {  	_ =	swait.ge [sflag:s0], $0x2800  }
0x98: {  	s24 =	sld [smem:$0x7F6]  }
0x99: {  	[sflag:s0] =	ssyncset.done $0x0  }
0x9a: {  	[sflag:s0] =	ssyncadd.s32 $0xFFFFD800  }
0x9b: {  	[spmem:s24] =	stream.linear.scatter [tilespmem:s31], [sflag:$0x3], $0x500, $0x38;
	[tilespmem:$0x1E6E0] =	vst v63  }
0x9c: {  	_ =	swait.ge [sflag:s0], $0x500  }
0x9d: {  	s29 =	sld [smem:$0x7F7]  }
0x9e: {  	[sflag:s0] =	ssyncset.done $0x0  }
0x9f: {  	[sflag:s0] =	ssyncadd.s32 $0xFFFFFB00  }
0xa0: {  	[spmem:s29] =	stream.linear.scatter [tilespmem:s31], [sflag:$0x3], $0x500, $0x38;
	[tilespmem:$0x1E6E0] =	vst v63  }
0xa1: {  	_ =	swait.ge [sflag:s0], $0x500  }
0xa2: {  	s18 =	sld [smem:$0x7F8]  }
0xa3: {  	[sflag:s0] =	ssyncset.done $0x0  }
0xa4: {  	[sflag:s0] =	ssyncadd.s32 $0xFFFFFB00  }
0xa5: {  	[spmem:s18] =	stream.linear.scatter [tilespmem:s30], [sflag:$0x3], $0x2800, $0x38;
	[tilespmem:$0x1E6E0] =	vst v63  }
0xa6: {  	_ =	swait.ge [sflag:s0], $0x2800  }
0xa7: {  	s22 =	sld [smem:$0x7F9]  }
0xa8: {  	[sflag:s0] =	ssyncset.done $0x0  }
0xa9: {  	[sflag:s0] =	ssyncadd.s32 $0xFFFFD800  }
0xaa: {  	[spmem:s22] =	stream.linear.scatter [tilespmem:s31], [sflag:$0x3], $0x500, $0x38;
	[tilespmem:$0x1E6E0] =	vst v63  }
0xab: {  	_ =	swait.ge [sflag:s0], $0x500  }
0xac: {  	s23 =	sld [smem:$0x7FA]  }
0xad: {  	[sflag:s0] =	ssyncset.done $0x0  }
0xae: {  	[sflag:s0] =	ssyncadd.s32 $0xFFFFFB00  }
0xaf: {  	[spmem:s23] =	stream.linear.scatter [tilespmem:s31], [sflag:$0x3], $0x500, $0x38;
	[tilespmem:$0x1E6E0] =	vst v63  }
0xb0: {  	_ =	swait.ge [sflag:s0], $0x500  }
0xb1: {  	[sflag:s0] =	ssyncset.done $0x0  }
0xb2: {  	s24 =	rddreg [dreg:$0xe];
	[sflag:s0] =	ssyncadd.s32 $0xFFFFFB00  }
0xb3: {  	[tilespmem:s7], [sflag:$0x1] =	stream.linear.gather [hbm4b:s24+s7], $0x50, $0x38;
	[tilespmem:$0x1E6E0] =	vst v63  }
0xb4: {  	s29 =	rddreg [dreg:$0xf]  }
0xb5: {  	[tilespmem:s6], [sflag:$0x1] =	stream.linear.gather [hbm4b:s29+s7], $0x50, $0x38;
	[tilespmem:$0x1E6E0] =	vst v63  }
0xb6: {  	s22 =	rddreg [dreg:$0x10]  }
0xb7: {  	[tilespmem:s9], [sflag:$0x1] =	stream.linear.gather [hbm4b:s22+s7], $0x500, $0x38;
	[tilespmem:$0x1E6E0] =	vst v63  }
0xb8: {  	[bflag:$0x0] =	sbarrier.arrive $0xFFFF  }
0xb9: {  	[tilespmem:s10], [sflag:$0x6] =	stream.linear.gather [hbm4b:s29+s7], $0x50, $0x38;
	[tilespmem:$0x1E6E0] =	vst v63  }
0xba: {  	_ =	swait.ge [sflag:s19], $0x50  }
0xbb: {  	[sflag:s19] =	ssyncset.done $0x0  }
0xbc: {  	[sflag:s19] =	ssyncadd.s32 $0xFFFFFFB0  }
0xbd: {  	[spmem:s3] =	stream.indirect.scatter.add.f32 [tilespmem:s30], [sflag:$0x5], $0x80, s10, s6, $0xb8;
	[tilespmem:$0x1E6E0] =	vst v63  }
0xbe: {  	_ = 	snop  }
0xbf: {  	[spmem:s4] =	stream.indirect.scatter.add.f32 [tilespmem:s31], [sflag:$0x5], $0x10, s10, s6, $0xb8;
	[tilespmem:$0x1E6E0] =	vst v63  }
0xc0: {  	_ = 	snop  }
0xc1: {  	[spmem:s5] =	stream.indirect.scatter.add.f32 [tilespmem:s31], [sflag:$0x5], $0x10, s10, s6, $0xb8;
	[tilespmem:$0x1E6E0] =	vst v63  }
0xc2: {  	_ =	swait.ge [sflag:s11], $0x50  }
0xc3: {  	[sflag:s11] =	ssyncset.done $0x0  }
0xc4: {  	[sflag:s11] =	ssyncadd.s32 $0xFFFFFFB0  }
0xc5: {  	_ =	swait.ge [sflag:s11], $0x50  }
0xc6: {  	[sflag:s11] =	ssyncset.done $0x0  }
0xc7: {  	[sflag:s11] =	ssyncadd.s32 $0xFFFFFFB0  }
0xc8: {  	_ =	swait.ge [sflag:s11], $0x500  }
0xc9: {  	[sflag:s11] =	ssyncset.done $0x0  }
0xca: {  	[sflag:s11] =	ssyncadd.s32 $0xFFFFFB00  }
0xcb: {  	_ =	swait.ge [sflag:s12], $0x2800  }
0xcc: {  	[sflag:s12] =	ssyncset.done $0x0  }
0xcd: {  	[sflag:s12] =	ssyncadd.s32 $0xFFFFD800  }
0xce: {  	_ =	swait.ge [sflag:s12], $0x500  }
0xcf: {  	[sflag:s12] =	ssyncset.done $0x0  }
0xd0: {  	[sflag:s12] =	ssyncadd.s32 $0xFFFFFB00  }
0xd1: {  	_ =	swait.ge [sflag:s12], $0x500  }
0xd2: {  	[sflag:s12] =	ssyncset.done $0x0  }
0xd3: {  	[sflag:s12] =	ssyncadd.s32 $0xFFFFFB00  }
0xd4: {  	[tilespmem:s15], [sflag:$0x3] =	stream.indirect.gather [hbm4b:s1+s14], $0x80, s7, s14, $0xb8;
	[tilespmem:$0x1E6E0] =	vst v63  }
0xd5: {  	s23 =	rddreg [dreg:$0x8]  }
0xd6: {  	[tilespmem:s20], [sflag:$0x3] =	stream.indirect.gather [hbm4b:s1+s14], $0x80, s14, s14, $0xb8;
	[tilespmem:$0x1E6E0] =	vst v63  }
0xd7: {  	s24 =	rddreg [dreg:$0x7];
	s16 =	sadd.s32 $0x0, s23  }
0xd8: {  	[tilespmem:s21], [sflag:$0x2] =	stream.linear.gather [hbm4b:s16+s7], $0x50, $0x38;
	[tilespmem:$0x1E6E0] =	vst v63  }
0xd9: {  	s29 =	sadd.s32 $0x0, s24  }
0xda: {  	[tilespmem:s10], [sflag:$0x2] =	stream.linear.gather [hbm4b:s29+s7], $0x50, $0x38;
	[tilespmem:$0x1E6E0] =	vst v63  }
0xdb: {  	s19 =	rddreg [dreg:$0x13]  }
0xdc: {  	[tilespmem:s31], [sflag:$0x2] =	stream.linear.gather [hbm4b:s19+s7], $0x500, $0x38;
	[tilespmem:$0x1E6E0] =	vst v63  }
0xdd: {  	_ =	swait.ge [sflag:s0], $0x1400  }
0xde: {  	[sflag:s0] =	ssyncset.done $0x0  }
0xdf: {  	[sflag:s0] =	ssyncadd.s32 $0xFFFFEC00  }
0xe0: {  	_ =	swait.ge [sflag:s0], $0x1400  }
0xe1: {  	[sflag:s0] =	ssyncset.done $0x0  }
0xe2: {  	[sflag:s0] =	ssyncadd.s32 $0xFFFFEC00  }
0xe3: {  	[spmem:s3] =	stream.indirect.scatter.add.f32 [tilespmem:s15], [sflag:$0x4], $0x80, s6, s6, $0xb8;
	[tilespmem:$0x1E6E0] =	vst v63  }
0xe4: {  	_ = 	snop  }
0xe5: {  	[spmem:s4] =	stream.indirect.scatter.add.f32 [tilespmem:s9], [sflag:$0x4], $0x10, s6, s6, $0xb8;
	[tilespmem:$0x1E6E0] =	vst v63  }
0xe6: {  	_ = 	snop  }
0xe7: {  	[spmem:s5] =	stream.indirect.scatter.add.f32 [tilespmem:s28], [sflag:$0x4], $0x10, s6, s6, $0xb8;
	[tilespmem:$0x1E6E0] =	vst v63  }
0xe8: {  	_ =	swait.ge [sflag:s13], $0x50  }
0xe9: {  	[sflag:s13] =	ssyncset.done $0x0  }
0xea: {  	[sflag:s13] =	ssyncadd.s32 $0xFFFFFFB0  }
0xeb: {  	_ =	swait.ge [sflag:s13], $0x50  }
0xec: {  	[sflag:s13] =	ssyncset.done $0x0  }
0xed: {  	[sflag:s13] =	ssyncadd.s32 $0xFFFFFFB0  }
0xee: {  	_ =	swait.ge [sflag:s13], $0x500  }
0xef: {  	[sflag:s13] =	ssyncset.done $0x0  }
0xf0: {  	s18 =	rddreg [dreg:$0xa];
	[sflag:s13] =	ssyncadd.s32 $0xFFFFFB00  }
0xf1: {  	[tilespmem:s30], [sflag:$0x3] =	stream.indirect.gather [hbm4b:s1+s14], $0x80, s21, s14, $0xb8;
	[tilespmem:$0x1E6E0] =	vst v63  }
0xf2: {  	s22 =	rddreg [dreg:$0x9]  }
0xf3: {  	[tilespmem:s18], [sflag:$0x3] =	stream.indirect.gather [hbm4b:s1+s14], $0x80, s22, s14, $0xb8;
	[tilespmem:$0x1E6E0] =	vst v63  }
0xf4: {  	_ =	swait.ge [sflag:s17], $0x2800  }
0xf5: {  	[sflag:s17] =	ssyncset.done $0x0  }
0xf6: {  	[sflag:s17] =	ssyncadd.s32 $0xFFFFD800  }
0xf7: {  	_ =	swait.ge [sflag:s17], $0x500  }
0xf8: {  	[sflag:s17] =	ssyncset.done $0x0  }
0xf9: {  	[sflag:s17] =	ssyncadd.s32 $0xFFFFFB00  }
0xfa: {  	_ =	swait.ge [sflag:s17], $0x500  }
0xfb: {  	s22 =	sld [smem:$0x7FC];
	_ =	sdelay $0x2  }
0xfc: {  	[sflag:s17] =	ssyncset.done $0x0;
	s23 =	sshrl.u32 s22, $0x3  }
0xfd: {  	[sflag:s17] =	ssyncadd.s32 $0xFFFFFB00;
	s24 =	sadd.s32 s8, s23  }
0xfe: {  	[tilespmem:s7], [sflag:$0x1] =	stream.linear.gather [hbm4b:s24+s7], $0x50, $0x38;
	[tilespmem:$0x1E6E0] =	vst v63  }
0xff: {  	s29 =	sld [smem:$0x7FB];
	s16 =	sadd.s32 s2, s23  }
0x100: {  	[tilespmem:s6], [sflag:$0x1] =	stream.linear.gather [hbm4b:s16+s7], $0x50, $0x38;
	[tilespmem:$0x1E6E0] =	vst v63  }
0x101: {  	_ = 	snop  }
0x102: {  	[tilespmem:s9], [sflag:$0x1] =	stream.linear.gather [hbm4b:s29+s7], $0x500, $0x38;
	[tilespmem:$0x1E6E0] =	vst v63  }
0x103: {  	_ =	swait.ge [sflag:s0], $0x1400  }
0x104: {  	[sflag:s0] =	ssyncset.done $0x0  }
0x105: {  	[sflag:s0] =	ssyncadd.s32 $0xFFFFEC00  }
0x106: {  	_ =	swait.ge [sflag:s0], $0x1400  }
0x107: {  	[sflag:s0] =	ssyncset.done $0x0  }
0x108: {  	s19 =	sadd.s32 $0x140, s19;
	[sflag:s0] =	ssyncadd.s32 $0xFFFFEC00  }
0x109: {  	[spmem:s3] =	stream.indirect.scatter.add.f32 [tilespmem:s30], [sflag:$0x5], $0x80, s10, s6, $0xb8;
	[tilespmem:$0x1E6E0] =	vst v63  }
0x10a: {  	s23 =	simm.s32 $0x14;
	s24 =	sadd.s32 $0x140, s29;
	s16 =	sadd.s32 $0xA0, s22  }
0x10b: {  	[spmem:s4] =	stream.indirect.scatter.add.f32 [tilespmem:s31], [sflag:$0x5], $0x10, s10, s6, $0xb8;
	[tilespmem:$0x1E6E0] =	vst v63  }
.LBB2_2:
0x10c: {  	[spmem:s5] =	stream.indirect.scatter.add.f32 [tilespmem:s28], [sflag:$0x5], $0x10, s10, s6, $0xb8;
	[tilespmem:$0x1E6E0] =	vst v63  }
0x10d: {  	_ =	swait.ge [sflag:s11], $0x50  }
0x10e: {  	[sflag:s11] =	ssyncset.done $0x0  }
0x10f: {  	[sflag:s11] =	ssyncadd.s32 $0xFFFFFFB0  }
0x110: {  	_ =	swait.ge [sflag:s11], $0x50  }
0x111: {  	[sflag:s11] =	ssyncset.done $0x0  }
0x112: {  	[sflag:s11] =	ssyncadd.s32 $0xFFFFFFB0  }
0x113: {  	_ =	swait.ge [sflag:s11], $0x500  }
0x114: {  	[sflag:s11] =	ssyncset.done $0x0  }
0x115: {  	[sflag:s11] =	ssyncadd.s32 $0xFFFFFB00  }
0x116: {  	_ =	swait.ge [sflag:s12], $0x2800  }
0x117: {  	[sflag:s12] =	ssyncset.done $0x0  }
0x118: {  	[sflag:s12] =	ssyncadd.s32 $0xFFFFD800  }
0x119: {  	_ =	swait.ge [sflag:s12], $0x500  }
0x11a: {  	[sflag:s12] =	ssyncset.done $0x0  }
0x11b: {  	[sflag:s12] =	ssyncadd.s32 $0xFFFFFB00  }
0x11c: {  	_ =	swait.ge [sflag:s12], $0x500  }
0x11d: {  	[sflag:s12] =	ssyncset.done $0x0  }
0x11e: {  	[sflag:s12] =	ssyncadd.s32 $0xFFFFFB00  }
0x11f: {  	[tilespmem:s15], [sflag:$0x3] =	stream.indirect.gather [hbm4b:s1+s14], $0x80, s7, s14, $0xb8;
	[tilespmem:$0x1E6E0] =	vst v63  }
0x120: {  	s18 =	smov.u32 s23;
	s29 =	rddreg [dreg:$0x8]  }
0x121: {  	[tilespmem:s20], [sflag:$0x3] =	stream.indirect.gather [hbm4b:s1+s14], $0x80, s14, s14, $0xb8;
	[tilespmem:$0x1E6E0] =	vst v63  }
0x122: {  	s22 =	rddreg [dreg:$0x7];
	s29 =	sadd.s32 s18, s29  }
0x123: {  	[tilespmem:s21], [sflag:$0x2] =	stream.linear.gather [hbm4b:s29+s7], $0x50, $0x38;
	[tilespmem:$0x1E6E0] =	vst v63  }
0x124: {  	s18 =	sadd.s32 s18, s22  }
0x125: {  	[tilespmem:s10], [sflag:$0x2] =	stream.linear.gather [hbm4b:s18+s7], $0x50, $0x38;
	[tilespmem:$0x1E6E0] =	vst v63  }
0x126: {  	_ = 	snop  }
0x127: {  	[tilespmem:s31], [sflag:$0x2] =	stream.linear.gather [hbm4b:s19+s7], $0x500, $0x38;
	[tilespmem:$0x1E6E0] =	vst v63  }
0x128: {  	_ =	swait.ge [sflag:s0], $0x1400  }
0x129: {  	[sflag:s0] =	ssyncset.done $0x0  }
0x12a: {  	[sflag:s0] =	ssyncadd.s32 $0xFFFFEC00  }
0x12b: {  	_ =	swait.ge [sflag:s0], $0x1400  }
0x12c: {  	[sflag:s0] =	ssyncset.done $0x0  }
0x12d: {  	[sflag:s0] =	ssyncadd.s32 $0xFFFFEC00  }
0x12e: {  	[spmem:s3] =	stream.indirect.scatter.add.f32 [tilespmem:s15], [sflag:$0x4], $0x80, s6, s6, $0xb8;
	[tilespmem:$0x1E6E0] =	vst v63  }
0x12f: {  	_ = 	snop  }
0x130: {  	[spmem:s4] =	stream.indirect.scatter.add.f32 [tilespmem:s9], [sflag:$0x4], $0x10, s6, s6, $0xb8;
	[tilespmem:$0x1E6E0] =	vst v63  }
0x131: {  	_ = 	snop  }
0x132: {  	[spmem:s5] =	stream.indirect.scatter.add.f32 [tilespmem:s28], [sflag:$0x4], $0x10, s6, s6, $0xb8;
	[tilespmem:$0x1E6E0] =	vst v63  }
0x133: {  	_ =	swait.ge [sflag:s13], $0x50  }
0x134: {  	[sflag:s13] =	ssyncset.done $0x0  }
0x135: {  	[sflag:s13] =	ssyncadd.s32 $0xFFFFFFB0  }
0x136: {  	_ =	swait.ge [sflag:s13], $0x50  }
0x137: {  	[sflag:s13] =	ssyncset.done $0x0  }
0x138: {  	[sflag:s13] =	ssyncadd.s32 $0xFFFFFFB0  }
0x139: {  	_ =	swait.ge [sflag:s13], $0x500  }
0x13a: {  	[sflag:s13] =	ssyncset.done $0x0  }
0x13b: {  	s22 =	rddreg [dreg:$0xa];
	[sflag:s13] =	ssyncadd.s32 $0xFFFFFB00  }
0x13c: {  	[tilespmem:s30], [sflag:$0x3] =	stream.indirect.gather [hbm4b:s1+s14], $0x80, s21, s14, $0xb8;
	[tilespmem:$0x1E6E0] =	vst v63  }
0x13d: {  	s29 =	rddreg [dreg:$0x9]  }
0x13e: {  	[tilespmem:s22], [sflag:$0x3] =	stream.indirect.gather [hbm4b:s1+s14], $0x80, s29, s14, $0xb8;
	[tilespmem:$0x1E6E0] =	vst v63  }
0x13f: {  	_ =	swait.ge [sflag:s17], $0x2800  }
0x140: {  	[sflag:s17] =	ssyncset.done $0x0  }
0x141: {  	[sflag:s17] =	ssyncadd.s32 $0xFFFFD800  }
0x142: {  	_ =	swait.ge [sflag:s17], $0x500  }
0x143: {  	[sflag:s17] =	ssyncset.done $0x0  }
0x144: {  	[sflag:s17] =	ssyncadd.s32 $0xFFFFFB00  }
0x145: {  	_ =	swait.ge [sflag:s17], $0x500  }
0x146: {  	s18 =	sshrl.u32 s16, $0x3;
	[sflag:s17] =	ssyncset.done $0x0  }
0x147: {  	s29 =	sadd.s32 s8, s18;
	[sflag:s17] =	ssyncadd.s32 $0xFFFFFB00  }
0x148: {  	[tilespmem:s7], [sflag:$0x1] =	stream.linear.gather [hbm4b:s29+s7], $0x50, $0x38;
	[tilespmem:$0x1E6E0] =	vst v63  }
0x149: {  	s18 =	sadd.s32 s2, s18  }
0x14a: {  	[tilespmem:s6], [sflag:$0x1] =	stream.linear.gather [hbm4b:s18+s7], $0x50, $0x38;
	[tilespmem:$0x1E6E0] =	vst v63  }
0x14b: {  	_ = 	snop  }
0x14c: {  	[tilespmem:s9], [sflag:$0x1] =	stream.linear.gather [hbm4b:s24+s7], $0x500, $0x38;
	[tilespmem:$0x1E6E0] =	vst v63  }
0x14d: {  	_ =	swait.ge [sflag:s0], $0x1400  }
0x14e: {  	[sflag:s0] =	ssyncset.done $0x0  }
0x14f: {  	[sflag:s0] =	ssyncadd.s32 $0xFFFFEC00  }
0x150: {  	p0 =	sne.s32 s23, $0x4C4;
	_ =	swait.ge [sflag:s0], $0x1400  }
.Ltmp0:
0x151: {  	[sflag:s0] =	ssyncset.done $0x0;
	(pc) =	sbr.rel @p0 .LBB2_2-.Ltmp0, $4  }
0x152: {  	s23 =	sadd.s32 $0x14, s23;
	[sflag:s0] =	ssyncadd.s32 $0xFFFFEC00  }
0x153: {  	[spmem:s3] =	stream.indirect.scatter.add.f32 [tilespmem:s30], [sflag:$0x5], $0x80, s10, s6, $0xb8;
	[tilespmem:$0x1E6E0] =	vst v63  }
0x154: {  	s16 =	sadd.s32 $0xA0, s16;
	s19 =	sadd.s32 $0x140, s19;
	s24 =	sadd.s32 $0x140, s24  }
0x155: {  	[spmem:s4] =	stream.indirect.scatter.add.f32 [tilespmem:s31], [sflag:$0x5], $0x10, s10, s6, $0xb8;
	[tilespmem:$0x1E6E0] =	vst v63  }
0x156: {  	[spmem:s5] =	stream.indirect.scatter.add.f32 [tilespmem:s28], [sflag:$0x5], $0x10, s10, s6, $0xb8;
	[tilespmem:$0x1E6E0] =	vst v63  }
0x157: {  	_ =	swait.ge [sflag:s11], $0x50  }
0x158: {  	[sflag:s11] =	ssyncset.done $0x0  }
0x159: {  	[sflag:s11] =	ssyncadd.s32 $0xFFFFFFB0  }
0x15a: {  	_ =	swait.ge [sflag:s11], $0x50  }
0x15b: {  	[sflag:s11] =	ssyncset.done $0x0  }
0x15c: {  	[sflag:s11] =	ssyncadd.s32 $0xFFFFFFB0  }
0x15d: {  	_ =	swait.ge [sflag:s11], $0x500  }
0x15e: {  	[sflag:s11] =	ssyncset.done $0x0  }
0x15f: {  	s16 =	simm.s32 $0x0;
	[sflag:s11] =	ssyncadd.s32 $0xFFFFFB00  }
0x160: {  	[tilespmem:s15], [sflag:$0x3] =	stream.indirect.gather [hbm4b:s1+s14], $0x80, s16, s14, $0xb8;
	[tilespmem:$0x1E6E0] =	vst v63  }
0x161: {  	_ = 	snop  }
0x162: {  	[tilespmem:s20], [sflag:$0x3] =	stream.indirect.gather [hbm4b:s1+s14], $0x80, s14, s14, $0xb8;
	[tilespmem:$0x1E6E0] =	vst v63  }
0x163: {  	_ =	swait.ge [sflag:s0], $0x1400  }
0x164: {  	[sflag:s0] =	ssyncset.done $0x0  }
0x165: {  	[sflag:s0] =	ssyncadd.s32 $0xFFFFEC00  }
0x166: {  	_ =	swait.ge [sflag:s0], $0x1400  }
0x167: {  	[sflag:s0] =	ssyncset.done $0x0  }
0x168: {  	[sflag:s0] =	ssyncadd.s32 $0xFFFFEC00  }
0x169: {  	[spmem:s3] =	stream.indirect.scatter.add.f32 [tilespmem:s15], [sflag:$0x4], $0x80, s6, s6, $0xb8;
	[tilespmem:$0x1E6E0] =	vst v63  }
0x16a: {  	_ = 	snop  }
0x16b: {  	[spmem:s4] =	stream.indirect.scatter.add.f32 [tilespmem:s9], [sflag:$0x4], $0x10, s6, s6, $0xb8;
	[tilespmem:$0x1E6E0] =	vst v63  }
0x16c: {  	_ = 	snop  }
0x16d: {  	[spmem:s5] =	stream.indirect.scatter.add.f32 [tilespmem:s28], [sflag:$0x4], $0x10, s6, s6, $0xb8;
	[tilespmem:$0x1E6E0] =	vst v63  }
0x16e: {  	_ =	swait.ge [sflag:s17], $0x2800  }
0x16f: {  	[sflag:s17] =	ssyncset.done $0x0  }
0x170: {  	[sflag:s17] =	ssyncadd.s32 $0xFFFFD800  }
0x171: {  	_ =	swait.ge [sflag:s17], $0x500  }
0x172: {  	[sflag:s17] =	ssyncset.done $0x0  }
0x173: {  	[sflag:s17] =	ssyncadd.s32 $0xFFFFFB00  }
0x174: {  	_ =	swait.ge [sflag:s17], $0x500  }
0x175: {  	[sflag:s17] =	ssyncset.done $0x0  }
0x176: {  	[sflag:s17] =	ssyncadd.s32 $0xFFFFFB00  }
0x177: {  	_ =	swait.ge [sflag:s12], $0x2800  }
0x178: {  	[sflag:s12] =	ssyncset.done $0x0  }
0x179: {  	[sflag:s12] =	ssyncadd.s32 $0xFFFFD800  }
0x17a: {  	_ =	swait.ge [sflag:s12], $0x500  }
0x17b: {  	[sflag:s12] =	ssyncset.done $0x0  }
0x17c: {  	[sflag:s12] =	ssyncadd.s32 $0xFFFFFB00  }
0x17d: {  	_ =	swait.ge [sflag:s12], $0x500  }
0x17e: {  	[sflag:s12] =	ssyncset.done $0x0  }
0x17f: {  	[sflag:s12] =	ssyncadd.s32 $0xFFFFFB00  }
0x180: {  	[bflag:$0x0] =	sbarrier.arrive $0xFFFF  }
0x181: {  	s18 =	rddreg [dreg:$0x12]  }
0x182: {  	[tilespmem:s15], [sflag:$0x3] =	stream.linear.gather [spmem:s18], $0x2800, $0x38;
	[tilespmem:$0x1E6E0] =	vst v63  }
0x183: {  	_ =	swait.ge [sflag:s0], $0x2800  }
0x184: {  	s24 =	sld [smem:$0x7FD]  }
0x185: {  	[sflag:s0] =	ssyncset.done $0x0  }
0x186: {  	[sflag:s0] =	ssyncadd.s32 $0xFFFFD800  }
0x187: {  	[hbm4b:s24+s7] =	stream.linear.scatter [tilespmem:s15], [sflag:$0x3], $0x2800, $0x38;
	[tilespmem:$0x1E6E0] =	vst v63  }
0x188: {  	_ =	swait.ge [sflag:s0], $0x2800  }
0x189: {  	[sflag:s0] =	ssyncset.done $0x0  }
0x18a: {  	s22 =	rddreg [dreg:$0x14];
	[sflag:s0] =	ssyncadd.s32 $0xFFFFD800  }
0x18b: {  	[tilespmem:s9], [sflag:$0x3] =	stream.linear.gather [spmem:s22], $0x500, $0x38;
	[tilespmem:$0x1E6E0] =	vst v63  }
0x18c: {  	_ =	swait.ge [sflag:s0], $0x500  }
0x18d: {  	[sflag:s0] =	ssyncset.done $0x0  }
0x18e: {  	s23 =	sadd.s32 $0x0, s26;
	[sflag:s0] =	ssyncadd.s32 $0xFFFFFB00  }
0x18f: {  	[hbm4b:s23+s7] =	stream.linear.scatter [tilespmem:s9], [sflag:$0x3], $0x500, $0x38;
	[tilespmem:$0x1E6E0] =	vst v63  }
0x190: {  	_ =	swait.ge [sflag:s0], $0x500  }
0x191: {  	[sflag:s0] =	ssyncset.done $0x0  }
0x192: {  	s19 =	rddreg [dreg:$0x15];
	[sflag:s0] =	ssyncadd.s32 $0xFFFFFB00  }
0x193: {  	[tilespmem:s9], [sflag:$0x3] =	stream.linear.gather [spmem:s19], $0x500, $0x38;
	[tilespmem:$0x1E6E0] =	vst v63  }
0x194: {  	_ =	swait.ge [sflag:s0], $0x500  }
0x195: {  	[sflag:s0] =	ssyncset.done $0x0  }
0x196: {  	s29 =	sadd.s32 $0x0, s25;
	[sflag:s0] =	ssyncadd.s32 $0xFFFFFB00  }
0x197: {  	[hbm4b:s29+s7] =	stream.linear.scatter [tilespmem:s9], [sflag:$0x3], $0x500, $0x38;
	[tilespmem:$0x1E6E0] =	vst v63  }
0x198: {  	s16 =	simm.s32 $0xA0;
	s23 =	sadd.s32 $0x2800, s18;
	_ =	swait.ge [sflag:s0], $0x500  }
0x199: {  	s18 =	smov.u32 s22;
	s19 =	sadd.s32 $0x500, s19;
	[sflag:s0] =	ssyncset.done $0x0  }
.LBB2_4:
0x19a: {  	[sflag:s0] =	ssyncadd.s32 $0xFFFFFB00  }
0x19b: {  	s24 =	sadd.s32 $0x500, s24;
	s18 =	sadd.s32 $0x500, s18;
	s22 =	smov.u32 s16  }
0x19c: {  	[tilespmem:s15], [sflag:$0x3] =	stream.linear.gather [spmem:s23], $0x2800, $0x38;
	[tilespmem:$0x1E6E0] =	vst v63  }
0x19d: {  	p0 =	sne.s32 s16, $0x460;
	s16 =	sadd.s32 $0xA0, s16;
	_ =	swait.ge [sflag:s0], $0x2800  }
0x19e: {  	[sflag:s0] =	ssyncset.done $0x0  }
0x19f: {  	[sflag:s0] =	ssyncadd.s32 $0xFFFFD800  }
0x1a0: {  	[hbm4b:s24+s7] =	stream.linear.scatter [tilespmem:s15], [sflag:$0x3], $0x2800, $0x38;
	[tilespmem:$0x1E6E0] =	vst v63  }
0x1a1: {  	_ =	swait.ge [sflag:s0], $0x2800  }
0x1a2: {  	[sflag:s0] =	ssyncset.done $0x0  }
0x1a3: {  	[sflag:s0] =	ssyncadd.s32 $0xFFFFD800  }
0x1a4: {  	[tilespmem:s9], [sflag:$0x3] =	stream.linear.gather [spmem:s18], $0x500, $0x38;
	[tilespmem:$0x1E6E0] =	vst v63  }
0x1a5: {  	_ =	swait.ge [sflag:s0], $0x500  }
0x1a6: {  	[sflag:s0] =	ssyncset.done $0x0  }
0x1a7: {  	s29 =	sadd.s32 s22, s26;
	[sflag:s0] =	ssyncadd.s32 $0xFFFFFB00  }
0x1a8: {  	[hbm4b:s29+s7] =	stream.linear.scatter [tilespmem:s9], [sflag:$0x3], $0x500, $0x38;
	[tilespmem:$0x1E6E0] =	vst v63  }
0x1a9: {  	_ =	swait.ge [sflag:s0], $0x500  }
0x1aa: {  	[sflag:s0] =	ssyncset.done $0x0  }
0x1ab: {  	[sflag:s0] =	ssyncadd.s32 $0xFFFFFB00  }
0x1ac: {  	[tilespmem:s9], [sflag:$0x3] =	stream.linear.gather [spmem:s19], $0x500, $0x38;
	[tilespmem:$0x1E6E0] =	vst v63  }
0x1ad: {  	_ =	swait.ge [sflag:s0], $0x500  }
.Ltmp1:
0x1ae: {  	[sflag:s0] =	ssyncset.done $0x0;
	(pc) =	sbr.rel @p0 .LBB2_4-.Ltmp1, $4  }
0x1af: {  	s22 =	sadd.s32 s22, s25;
	[sflag:s0] =	ssyncadd.s32 $0xFFFFFB00  }
0x1b0: {  	[hbm4b:s22+s7] =	stream.linear.scatter [tilespmem:s9], [sflag:$0x3], $0x500, $0x38;
	[tilespmem:$0x1E6E0] =	vst v63  }
0x1b1: {  	_ =	swait.ge [sflag:s0], $0x500  }
0x1b2: {  	s23 =	sadd.s32 $0x2800, s23;
	s19 =	sadd.s32 $0x500, s19;
	[sflag:s0] =	ssyncset.done $0x0  }
0x1b3: {  	s18 =	sld [smem:$0x7EF];
	_ =	sdelay $0x2  }
0x1b4: {  	s16 =	rddreg [dreg:$0x11];
	s18 =	sadd.s32 $0x1, s18  }
0x1b5: {  	p0 =	sne.s32 s18, s16  }
.Ltmp2:
0x1b6: {  	_ = 	snop;
	(pc) =	sbr.rel @p0 .LBB2_1-.Ltmp2, $2  }
0x1b7: {  	_ =	sdelay $0x2  }
0x1b8: {  	[sflag:s0] =	ssyncadd.s32 $0xFFFFFB00  }
0x1b9: {  	_ =	sfence.sel $0x180000  }
0x1ba: {  	[bflag:$0x0] =	sbarrier.arrive $0xFFFF  }
0x1bb: {  	_ =	strace $0x90000047  }
0x1bc: {  	s0 =	stileid.u32;
	[bflag:$0x2] =	sbarrier.arrive $0xFFFF  }
0x1bd: {  	p0 =	sne.s32 s0, $0x0;
	s0 =	rddreg [dreg:$0x6]  }
0x1be: {  	s0 =	sadd.s32 @!p0 $0x100000, s0  }
0x1bf: {  	[sflag:s0] =	ssyncadd.tile.s32 @!p0 $0x1;
	_ =	shalt  }
.Lfunc_end2:
_tile_overlayer_lowered:
.L_overlay_start_2:
0x1c0: {  	(tag) =	ssettag $0x2  }
0x1c1: {  	s0 =	rddreg [dreg:$0x0];
	s2 =	stileid.u32  }
0x1c2: {  	s1 =	rddreg [dreg:$0x1];
	p0 =	sne.s32 s2, $0x0  }
0x1c3: {  	s3 =	rddreg [dreg:$0x2];
	[bflag:$0x3] =	sbarrier.arrive $0xFFFF;
	s2 =	simm.s32 @!p0 $0x1C06  }
0x1c4: {  	[timem:s3], [sflag:s2] =	dma.local @!p0 [hbm:s0], s1  }
0x1c5: {  	s0 =	simm.s32 @!p0 $0x6  }
0x1c6: {  	_ =	swait.ge @!p0 [sflag:s0], s1  }
0x1c7: {  	s1 =	ssub.s32 @!p0 $0x0, s1;
	[sflag:s0] =	ssyncset.done @!p0 $0x0  }
0x1c8: {  	[sflag:s0] =	ssyncadd.s32 @!p0 s1  }
0x1c9: {  	[bflag:$0x3] =	sbarrier.arrive $0xFFFF  }
0x1ca: {  	_ =	shalt  }

</sc_bundles>
